<compile_context>
chip_gen: v7x
topology: tpu7x:2x2x1
jax: 0.10.2.dev20260603
libtpu: 0.0.44.dev20260713+nightly
codegen_flags: <defaults>
</compile_context>

<pallas_src>
import functools

import jax
import jax.numpy as jnp
from jax import lax
from jax.experimental import pallas as pl
from jax.experimental.pallas import tpu as pltpu
from jax.experimental.pallas import tpu_sc as plsc

D_MODEL = 768
SEQ_LEN = 2048
BATCH = 4

NUM_WORKERS = 32
T_PER_W = SEQ_LEN // NUM_WORKERS
WIN = 8
NWIN = T_PER_W // WIN
VECS = D_MODEL // 16

_mesh = plsc.VectorSubcoreMesh(
    core_axis_name="c", subcore_axis_name="s", num_cores=2, num_subcores=16
)

_BUF = pltpu.VMEM((WIN, D_MODEL), jnp.float32)


@functools.partial(
    pl.kernel,
    out_type=jax.ShapeDtypeStruct((BATCH * SEQ_LEN, D_MODEL), jnp.float32),
    mesh=_mesh,
    scratch_types=[
        pltpu.VMEM((BATCH, T_PER_W), jnp.int32),
        [[_BUF for _ in range(BATCH)] for _ in range(2)],
        [_BUF, _BUF],
        [pltpu.SemaphoreType.DMA for _ in range(2)],
        [pltpu.SemaphoreType.DMA for _ in range(2)],
    ],
)
def _embed_sc(idx_hbm, w_hbm, pos_hbm, out_hbm, idx_v, gbufs, pbufs,
              ld_sems, st_sems):
    wid = lax.axis_index("s") * 2 + lax.axis_index("c")
    t0 = wid * T_PER_W

    idx_descs = [
        pltpu.async_copy(idx_hbm.at[b, pl.ds(t0, T_PER_W)], idx_v.at[b],
                         ld_sems[0])
        for b in range(BATCH)]
    for d in idx_descs:
        d.wait()

    def loads(w, p):
        descs = [pltpu.make_async_copy(
            w_hbm.at[idx_v.at[b, pl.ds(w * WIN, WIN)]], gbufs[p][b],
            ld_sems[p]) for b in range(BATCH)]
        descs.append(pltpu.make_async_copy(
            pos_hbm.at[pl.ds(t0 + w * WIN, WIN)], pbufs[p], ld_sems[p]))
        return descs

    def stores(w, p):
        return [pltpu.make_async_copy(
            gbufs[p][b],
            out_hbm.at[pl.ds(b * SEQ_LEN + t0 + w * WIN, WIN)],
            st_sems[p]) for b in range(BATCH)]

    def add_window(p):
        gb = gbufs[p]
        pb = pbufs[p]

        @plsc.parallel_loop(0, VECS, unroll=1)
        def _add_col(v):
            sl = pl.ds(v * 16, 16)
            for r in range(WIN):
                pvec = pb[r, sl]
                for b in range(BATCH):
                    plsc.addupdate(gb[b].at[r, sl], pvec)

    def win_step(w, p):
        @pl.when(w + 1 < NWIN)
        def _prefetch():
            @pl.when(w >= 1)
            def _drain():
                for d in stores(w - 1, 1 - p):
                    d.wait()
            for d in loads(w + 1, 1 - p):
                d.start()
        for d in loads(w, p):
            d.wait()
        add_window(p)
        for d in stores(w, p):
            d.start()

    for d in loads(0, 0):
        d.start()

    @pl.loop(0, NWIN // 2)
    def _pair(j):
        w0 = 2 * j
        win_step(w0, 0)
        win_step(w0 + 1, 1)

    for w, p in ((NWIN - 2, 0), (NWIN - 1, 1)):
        for d in stores(w, p):
            d.wait()


def kernel(x, W, pos_embd):
    idx = x if x.dtype == jnp.int32 else x.astype(jnp.int32)
    out = _embed_sc(idx, W, pos_embd)
    return out.reshape(BATCH, SEQ_LEN, D_MODEL)

# --- scband reference (transcript-rebuilt; emitter-appended) ---
"""Pipeline reference for scband-embedding-17377437680431 (READ-ONLY COPY).

The authoritative reference and input builder live on the scoring server;
editing this copy changes nothing except your own understanding.
"""

import jax, jax.numpy as jnp
import numpy as np

VOCAB = 100000
D_MODEL = 768
SEQ_LEN = 2048
BATCH = 4

def _make_pos_embd(seq_len, d_model):
    T = np.arange(0, seq_len, dtype=np.float32)
    i = np.arange(0, d_model // 2, dtype=np.float32)
    div = np.exp(2.0 * i / d_model * -np.log(10000.0)).astype(np.float32)
    pos = np.zeros((seq_len, d_model), dtype=np.float32)
    pos[:, ::2] = np.sin(np.outer(T, div))
    pos[:, 1::2] = np.cos(np.outer(T, div))
    return jnp.asarray(pos)

def setup_inputs(seed: int = 0) -> dict:
    key = jax.random.key(seed)
    k1, k2 = jax.random.split(key)
    x = jax.random.randint(k1, (BATCH, SEQ_LEN), 0, VOCAB, dtype=jnp.int64 if jax.config.jax_enable_x64 else jnp.int32)
    W = jax.random.normal(k2, (VOCAB, D_MODEL), dtype=jnp.float32)
    pos_embd = _make_pos_embd(SEQ_LEN, D_MODEL)
    return {"x": x, "W": W, "pos_embd": pos_embd}

def reference(x, W, pos_embd):
    seq_len = x.shape[1]
    embd = jnp.take(W, x, axis=0)
    return embd + pos_embd[:seq_len, :]

if __name__ == "__main__":
    import jax
    _d = setup_inputs()
    print(jax.jit(kernel)(*tuple(_d.values())))

</pallas_src>

<mosaic_0001>
#map = affine_map<(d0, d1) -> (0, 0)>
module attributes {stable_mosaic.version = 14 : i64} {
  func.func @_embed_sc(%arg0: i32, %arg1: i32, %arg2: memref<4x2048xi32, #tpu.memory_space<hbm>>, %arg3: memref<100000x768xf32, #tpu.memory_space<hbm>>, %arg4: memref<2048x768xf32, #tpu.memory_space<hbm>>, %arg5: memref<8192x768xf32, #tpu.memory_space<hbm>>, %arg6: memref<4x64xi32, #tpu.memory_space<vmem>>, %arg7: memref<8x768xf32, #tpu.memory_space<vmem>>, %arg8: memref<8x768xf32, #tpu.memory_space<vmem>>, %arg9: memref<8x768xf32, #tpu.memory_space<vmem>>, %arg10: memref<8x768xf32, #tpu.memory_space<vmem>>, %arg11: memref<8x768xf32, #tpu.memory_space<vmem>>, %arg12: memref<8x768xf32, #tpu.memory_space<vmem>>, %arg13: memref<8x768xf32, #tpu.memory_space<vmem>>, %arg14: memref<8x768xf32, #tpu.memory_space<vmem>>, %arg15: memref<8x768xf32, #tpu.memory_space<vmem>>, %arg16: memref<8x768xf32, #tpu.memory_space<vmem>>, %arg17: memref<!tpu.dma_semaphore, #tpu.memory_space<semaphore_mem>>, %arg18: memref<!tpu.dma_semaphore, #tpu.memory_space<semaphore_mem>>, %arg19: memref<!tpu.dma_semaphore, #tpu.memory_space<semaphore_mem>>, %arg20: memref<!tpu.dma_semaphore, #tpu.memory_space<semaphore_mem>>) attributes {dimension_semantics = [#tpu.dimension_semantics<core_parallel>, #tpu.dimension_semantics<subcore_parallel>], iteration_bounds = array<i64: 2, 16>, scalar_prefetch = 0 : i64, scratch_operands = 15 : i64, tpu.core_type = #tpu.core_type<sc_vector_subcore>, window_params = [{transform_indices = #map}, {transform_indices = #map}, {transform_indices = #map}, {transform_indices = #map}]} {
    %mul3A = arith.constant 2 : i32
    %mul3A_0 = arith.muli %arg1, %mul3A : i32
    %add3A = arith.addi %mul3A_0, %arg0 : i32
    %mul3A_1 = arith.constant 64 : i32
    %mul3A_2 = arith.muli %add3A, %mul3A_1 : i32
    %dma_start3A = arith.constant 0 : i32
    %dma_start3A_3 = arith.constant 0 : i32
    %dma_start3A_4 = arith.constant 0 : i32
    %dma_start3A_5 = tpu.memref_slice %arg6[%dma_start3A_3, %dma_start3A_4] : memref<4x64xi32, #tpu.memory_space<vmem>> -> memref<1x64xi32, #tpu.memory_space<vmem>>
    %dma_start3A_6 = tpu.memref_squeeze %dma_start3A_5 : memref<1x64xi32, #tpu.memory_space<vmem>> -> memref<64xi32, #tpu.memory_space<vmem>>
    %dma_start3A_7 = tpu.memref_slice %arg2[%dma_start3A, %mul3A_2] : memref<4x2048xi32, #tpu.memory_space<hbm>> -> memref<1x64xi32, #tpu.memory_space<hbm>>
    %dma_start3A_8 = tpu.memref_squeeze %dma_start3A_7 : memref<1x64xi32, #tpu.memory_space<hbm>> -> memref<64xi32, #tpu.memory_space<hbm>>
    %dma_start3A_9 = arith.constant 0 : i32
    %dma_start3A_10 = tpu.memref_slice %arg6[%dma_start3A_3, %dma_start3A_9] : memref<4x64xi32, #tpu.memory_space<vmem>> -> memref<1x64xi32, #tpu.memory_space<vmem>>
    %dma_start3A_11 = tpu.memref_squeeze %dma_start3A_10 : memref<1x64xi32, #tpu.memory_space<vmem>> -> memref<64xi32, #tpu.memory_space<vmem>>
    %dma_start3A_12 = tpu.memref_slice %arg2[%dma_start3A, %mul3A_2] : memref<4x2048xi32, #tpu.memory_space<hbm>> -> memref<1x64xi32, #tpu.memory_space<hbm>>
    %dma_start3A_13 = tpu.memref_squeeze %dma_start3A_12 : memref<1x64xi32, #tpu.memory_space<hbm>> -> memref<64xi32, #tpu.memory_space<hbm>>
    tpu.enqueue_dma source(%dma_start3A_13 : memref<64xi32, #tpu.memory_space<hbm>>) target(%dma_start3A_11 : memref<64xi32, #tpu.memory_space<vmem>>) target_semaphore(%arg17 : memref<!tpu.dma_semaphore, #tpu.memory_space<semaphore_mem>>)
    %dma_start3A_14 = arith.constant 1 : i32
    %dma_start3A_15 = arith.constant 1 : i32
    %dma_start3A_16 = arith.constant 0 : i32
    %dma_start3A_17 = tpu.memref_slice %arg6[%dma_start3A_15, %dma_start3A_16] : memref<4x64xi32, #tpu.memory_space<vmem>> -> memref<1x64xi32, #tpu.memory_space<vmem>>
    %dma_start3A_18 = tpu.memref_squeeze %dma_start3A_17 : memref<1x64xi32, #tpu.memory_space<vmem>> -> memref<64xi32, #tpu.memory_space<vmem>>
    %dma_start3A_19 = tpu.memref_slice %arg2[%dma_start3A_14, %mul3A_2] : memref<4x2048xi32, #tpu.memory_space<hbm>> -> memref<1x64xi32, #tpu.memory_space<hbm>>
    %dma_start3A_20 = tpu.memref_squeeze %dma_start3A_19 : memref<1x64xi32, #tpu.memory_space<hbm>> -> memref<64xi32, #tpu.memory_space<hbm>>
    %dma_start3A_21 = arith.constant 0 : i32
    %dma_start3A_22 = tpu.memref_slice %arg6[%dma_start3A_15, %dma_start3A_21] : memref<4x64xi32, #tpu.memory_space<vmem>> -> memref<1x64xi32, #tpu.memory_space<vmem>>
    %dma_start3A_23 = tpu.memref_squeeze %dma_start3A_22 : memref<1x64xi32, #tpu.memory_space<vmem>> -> memref<64xi32, #tpu.memory_space<vmem>>
    %dma_start3A_24 = tpu.memref_slice %arg2[%dma_start3A_14, %mul3A_2] : memref<4x2048xi32, #tpu.memory_space<hbm>> -> memref<1x64xi32, #tpu.memory_space<hbm>>
    %dma_start3A_25 = tpu.memref_squeeze %dma_start3A_24 : memref<1x64xi32, #tpu.memory_space<hbm>> -> memref<64xi32, #tpu.memory_space<hbm>>
    tpu.enqueue_dma source(%dma_start3A_25 : memref<64xi32, #tpu.memory_space<hbm>>) target(%dma_start3A_23 : memref<64xi32, #tpu.memory_space<vmem>>) target_semaphore(%arg17 : memref<!tpu.dma_semaphore, #tpu.memory_space<semaphore_mem>>)
    %dma_start3A_26 = arith.constant 2 : i32
    %dma_start3A_27 = arith.constant 2 : i32
    %dma_start3A_28 = arith.constant 0 : i32
    %dma_start3A_29 = tpu.memref_slice %arg6[%dma_start3A_27, %dma_start3A_28] : memref<4x64xi32, #tpu.memory_space<vmem>> -> memref<1x64xi32, #tpu.memory_space<vmem>>
    %dma_start3A_30 = tpu.memref_squeeze %dma_start3A_29 : memref<1x64xi32, #tpu.memory_space<vmem>> -> memref<64xi32, #tpu.memory_space<vmem>>
    %dma_start3A_31 = tpu.memref_slice %arg2[%dma_start3A_26, %mul3A_2] : memref<4x2048xi32, #tpu.memory_space<hbm>> -> memref<1x64xi32, #tpu.memory_space<hbm>>
    %dma_start3A_32 = tpu.memref_squeeze %dma_start3A_31 : memref<1x64xi32, #tpu.memory_space<hbm>> -> memref<64xi32, #tpu.memory_space<hbm>>
    %dma_start3A_33 = arith.constant 0 : i32
    %dma_start3A_34 = tpu.memref_slice %arg6[%dma_start3A_27, %dma_start3A_33] : memref<4x64xi32, #tpu.memory_space<vmem>> -> memref<1x64xi32, #tpu.memory_space<vmem>>
    %dma_start3A_35 = tpu.memref_squeeze %dma_start3A_34 : memref<1x64xi32, #tpu.memory_space<vmem>> -> memref<64xi32, #tpu.memory_space<vmem>>
    %dma_start3A_36 = tpu.memref_slice %arg2[%dma_start3A_26, %mul3A_2] : memref<4x2048xi32, #tpu.memory_space<hbm>> -> memref<1x64xi32, #tpu.memory_space<hbm>>
    %dma_start3A_37 = tpu.memref_squeeze %dma_start3A_36 : memref<1x64xi32, #tpu.memory_space<hbm>> -> memref<64xi32, #tpu.memory_space<hbm>>
    tpu.enqueue_dma source(%dma_start3A_37 : memref<64xi32, #tpu.memory_space<hbm>>) target(%dma_start3A_35 : memref<64xi32, #tpu.memory_space<vmem>>) target_semaphore(%arg17 : memref<!tpu.dma_semaphore, #tpu.memory_space<semaphore_mem>>)
    %dma_start3A_38 = arith.constant 3 : i32
    %dma_start3A_39 = arith.constant 3 : i32
    %dma_start3A_40 = arith.constant 0 : i32
    %dma_start3A_41 = tpu.memref_slice %arg6[%dma_start3A_39, %dma_start3A_40] : memref<4x64xi32, #tpu.memory_space<vmem>> -> memref<1x64xi32, #tpu.memory_space<vmem>>
    %dma_start3A_42 = tpu.memref_squeeze %dma_start3A_41 : memref<1x64xi32, #tpu.memory_space<vmem>> -> memref<64xi32, #tpu.memory_space<vmem>>
    %dma_start3A_43 = tpu.memref_slice %arg2[%dma_start3A_38, %mul3A_2] : memref<4x2048xi32, #tpu.memory_space<hbm>> -> memref<1x64xi32, #tpu.memory_space<hbm>>
    %dma_start3A_44 = tpu.memref_squeeze %dma_start3A_43 : memref<1x64xi32, #tpu.memory_space<hbm>> -> memref<64xi32, #tpu.memory_space<hbm>>
    %dma_start3A_45 = arith.constant 0 : i32
    %dma_start3A_46 = tpu.memref_slice %arg6[%dma_start3A_39, %dma_start3A_45] : memref<4x64xi32, #tpu.memory_space<vmem>> -> memref<1x64xi32, #tpu.memory_space<vmem>>
    %dma_start3A_47 = tpu.memref_squeeze %dma_start3A_46 : memref<1x64xi32, #tpu.memory_space<vmem>> -> memref<64xi32, #tpu.memory_space<vmem>>
    %dma_start3A_48 = tpu.memref_slice %arg2[%dma_start3A_38, %mul3A_2] : memref<4x2048xi32, #tpu.memory_space<hbm>> -> memref<1x64xi32, #tpu.memory_space<hbm>>
    %dma_start3A_49 = tpu.memref_squeeze %dma_start3A_48 : memref<1x64xi32, #tpu.memory_space<hbm>> -> memref<64xi32, #tpu.memory_space<hbm>>
    tpu.enqueue_dma source(%dma_start3A_49 : memref<64xi32, #tpu.memory_space<hbm>>) target(%dma_start3A_47 : memref<64xi32, #tpu.memory_space<vmem>>) target_semaphore(%arg17 : memref<!tpu.dma_semaphore, #tpu.memory_space<semaphore_mem>>)
    %dma_wait3A = arith.constant 0 : i32
    %dma_wait3A_50 = arith.constant 0 : i32
    %dma_wait3A_51 = arith.constant 0 : i32
    %dma_wait3A_52 = tpu.memref_slice %arg6[%dma_wait3A_50, %dma_wait3A_51] : memref<4x64xi32, #tpu.memory_space<vmem>> -> memref<1x64xi32, #tpu.memory_space<vmem>>
    %dma_wait3A_53 = tpu.memref_squeeze %dma_wait3A_52 : memref<1x64xi32, #tpu.memory_space<vmem>> -> memref<64xi32, #tpu.memory_space<vmem>>
    %dma_wait3A_54 = tpu.memref_slice %arg2[%dma_wait3A, %mul3A_2] : memref<4x2048xi32, #tpu.memory_space<hbm>> -> memref<1x64xi32, #tpu.memory_space<hbm>>
    %dma_wait3A_55 = tpu.memref_squeeze %dma_wait3A_54 : memref<1x64xi32, #tpu.memory_space<hbm>> -> memref<64xi32, #tpu.memory_space<hbm>>
    %dma_wait3A_56 = arith.constant 0 : i32
    %dma_wait3A_57 = tpu.memref_slice %arg6[%dma_wait3A_50, %dma_wait3A_56] : memref<4x64xi32, #tpu.memory_space<vmem>> -> memref<1x64xi32, #tpu.memory_space<vmem>>
    %dma_wait3A_58 = tpu.memref_squeeze %dma_wait3A_57 : memref<1x64xi32, #tpu.memory_space<vmem>> -> memref<64xi32, #tpu.memory_space<vmem>>
    %dma_wait3A_59 = tpu.memref_slice %arg2[%dma_wait3A, %mul3A_2] : memref<4x2048xi32, #tpu.memory_space<hbm>> -> memref<1x64xi32, #tpu.memory_space<hbm>>
    %dma_wait3A_60 = tpu.memref_squeeze %dma_wait3A_59 : memref<1x64xi32, #tpu.memory_space<hbm>> -> memref<64xi32, #tpu.memory_space<hbm>>
    tpu.wait_dma2 semaphore(%arg17 : memref<!tpu.dma_semaphore, #tpu.memory_space<semaphore_mem>>) src(%dma_wait3A_60 : memref<64xi32, #tpu.memory_space<hbm>>) dst(%dma_wait3A_58 : memref<64xi32, #tpu.memory_space<vmem>>)
    %dma_wait3A_61 = arith.constant 1 : i32
    %dma_wait3A_62 = arith.constant 1 : i32
    %dma_wait3A_63 = arith.constant 0 : i32
    %dma_wait3A_64 = tpu.memref_slice %arg6[%dma_wait3A_62, %dma_wait3A_63] : memref<4x64xi32, #tpu.memory_space<vmem>> -> memref<1x64xi32, #tpu.memory_space<vmem>>
    %dma_wait3A_65 = tpu.memref_squeeze %dma_wait3A_64 : memref<1x64xi32, #tpu.memory_space<vmem>> -> memref<64xi32, #tpu.memory_space<vmem>>
    %dma_wait3A_66 = tpu.memref_slice %arg2[%dma_wait3A_61, %mul3A_2] : memref<4x2048xi32, #tpu.memory_space<hbm>> -> memref<1x64xi32, #tpu.memory_space<hbm>>
    %dma_wait3A_67 = tpu.memref_squeeze %dma_wait3A_66 : memref<1x64xi32, #tpu.memory_space<hbm>> -> memref<64xi32, #tpu.memory_space<hbm>>
    %dma_wait3A_68 = arith.constant 0 : i32
    %dma_wait3A_69 = tpu.memref_slice %arg6[%dma_wait3A_62, %dma_wait3A_68] : memref<4x64xi32, #tpu.memory_space<vmem>> -> memref<1x64xi32, #tpu.memory_space<vmem>>
    %dma_wait3A_70 = tpu.memref_squeeze %dma_wait3A_69 : memref<1x64xi32, #tpu.memory_space<vmem>> -> memref<64xi32, #tpu.memory_space<vmem>>
    %dma_wait3A_71 = tpu.memref_slice %arg2[%dma_wait3A_61, %mul3A_2] : memref<4x2048xi32, #tpu.memory_space<hbm>> -> memref<1x64xi32, #tpu.memory_space<hbm>>
    %dma_wait3A_72 = tpu.memref_squeeze %dma_wait3A_71 : memref<1x64xi32, #tpu.memory_space<hbm>> -> memref<64xi32, #tpu.memory_space<hbm>>
    tpu.wait_dma2 semaphore(%arg17 : memref<!tpu.dma_semaphore, #tpu.memory_space<semaphore_mem>>) src(%dma_wait3A_72 : memref<64xi32, #tpu.memory_space<hbm>>) dst(%dma_wait3A_70 : memref<64xi32, #tpu.memory_space<vmem>>)
    %dma_wait3A_73 = arith.constant 2 : i32
    %dma_wait3A_74 = arith.constant 2 : i32
    %dma_wait3A_75 = arith.constant 0 : i32
    %dma_wait3A_76 = tpu.memref_slice %arg6[%dma_wait3A_74, %dma_wait3A_75] : memref<4x64xi32, #tpu.memory_space<vmem>> -> memref<1x64xi32, #tpu.memory_space<vmem>>
    %dma_wait3A_77 = tpu.memref_squeeze %dma_wait3A_76 : memref<1x64xi32, #tpu.memory_space<vmem>> -> memref<64xi32, #tpu.memory_space<vmem>>
    %dma_wait3A_78 = tpu.memref_slice %arg2[%dma_wait3A_73, %mul3A_2] : memref<4x2048xi32, #tpu.memory_space<hbm>> -> memref<1x64xi32, #tpu.memory_space<hbm>>
    %dma_wait3A_79 = tpu.memref_squeeze %dma_wait3A_78 : memref<1x64xi32, #tpu.memory_space<hbm>> -> memref<64xi32, #tpu.memory_space<hbm>>
    %dma_wait3A_80 = arith.constant 0 : i32
    %dma_wait3A_81 = tpu.memref_slice %arg6[%dma_wait3A_74, %dma_wait3A_80] : memref<4x64xi32, #tpu.memory_space<vmem>> -> memref<1x64xi32, #tpu.memory_space<vmem>>
    %dma_wait3A_82 = tpu.memref_squeeze %dma_wait3A_81 : memref<1x64xi32, #tpu.memory_space<vmem>> -> memref<64xi32, #tpu.memory_space<vmem>>
    %dma_wait3A_83 = tpu.memref_slice %arg2[%dma_wait3A_73, %mul3A_2] : memref<4x2048xi32, #tpu.memory_space<hbm>> -> memref<1x64xi32, #tpu.memory_space<hbm>>
    %dma_wait3A_84 = tpu.memref_squeeze %dma_wait3A_83 : memref<1x64xi32, #tpu.memory_space<hbm>> -> memref<64xi32, #tpu.memory_space<hbm>>
    tpu.wait_dma2 semaphore(%arg17 : memref<!tpu.dma_semaphore, #tpu.memory_space<semaphore_mem>>) src(%dma_wait3A_84 : memref<64xi32, #tpu.memory_space<hbm>>) dst(%dma_wait3A_82 : memref<64xi32, #tpu.memory_space<vmem>>)
    %dma_wait3A_85 = arith.constant 3 : i32
    %dma_wait3A_86 = arith.constant 3 : i32
    %dma_wait3A_87 = arith.constant 0 : i32
    %dma_wait3A_88 = tpu.memref_slice %arg6[%dma_wait3A_86, %dma_wait3A_87] : memref<4x64xi32, #tpu.memory_space<vmem>> -> memref<1x64xi32, #tpu.memory_space<vmem>>
    %dma_wait3A_89 = tpu.memref_squeeze %dma_wait3A_88 : memref<1x64xi32, #tpu.memory_space<vmem>> -> memref<64xi32, #tpu.memory_space<vmem>>
    %dma_wait3A_90 = tpu.memref_slice %arg2[%dma_wait3A_85, %mul3A_2] : memref<4x2048xi32, #tpu.memory_space<hbm>> -> memref<1x64xi32, #tpu.memory_space<hbm>>
    %dma_wait3A_91 = tpu.memref_squeeze %dma_wait3A_90 : memref<1x64xi32, #tpu.memory_space<hbm>> -> memref<64xi32, #tpu.memory_space<hbm>>
    %dma_wait3A_92 = arith.constant 0 : i32
    %dma_wait3A_93 = tpu.memref_slice %arg6[%dma_wait3A_86, %dma_wait3A_92] : memref<4x64xi32, #tpu.memory_space<vmem>> -> memref<1x64xi32, #tpu.memory_space<vmem>>
    %dma_wait3A_94 = tpu.memref_squeeze %dma_wait3A_93 : memref<1x64xi32, #tpu.memory_space<vmem>> -> memref<64xi32, #tpu.memory_space<vmem>>
    %dma_wait3A_95 = tpu.memref_slice %arg2[%dma_wait3A_85, %mul3A_2] : memref<4x2048xi32, #tpu.memory_space<hbm>> -> memref<1x64xi32, #tpu.memory_space<hbm>>
    %dma_wait3A_96 = tpu.memref_squeeze %dma_wait3A_95 : memref<1x64xi32, #tpu.memory_space<hbm>> -> memref<64xi32, #tpu.memory_space<hbm>>
    tpu.wait_dma2 semaphore(%arg17 : memref<!tpu.dma_semaphore, #tpu.memory_space<semaphore_mem>>) src(%dma_wait3A_96 : memref<64xi32, #tpu.memory_space<hbm>>) dst(%dma_wait3A_94 : memref<64xi32, #tpu.memory_space<vmem>>)
    %add3A_97 = arith.constant 0 : i32
    %add3A_98 = arith.addi %mul3A_2, %add3A_97 : i32
    %dma_start3A_99 = arith.constant 0 : i32
    %dma_start3A_100 = arith.constant 0 : i32
    %dma_start3A_101 = tpu.memref_slice %arg6[%dma_start3A_99, %dma_start3A_100] : memref<4x64xi32, #tpu.memory_space<vmem>> -> memref<1x8xi32, #tpu.memory_space<vmem>>
    %dma_start3A_102 = tpu.memref_squeeze %dma_start3A_101 : memref<1x8xi32, #tpu.memory_space<vmem>> -> memref<8xi32, #tpu.memory_space<vmem>>
    %dma_start3A_103 = arith.constant 0 : i32
    %dma_start3A_104 = arith.constant 0 : i32
    %dma_start3A_105 = tpu.memref_slice %arg3[%dma_start3A_103, %dma_start3A_104] : memref<100000x768xf32, #tpu.memory_space<hbm>> -> memref<100000x768xf32, #tpu.memory_space<hbm>>
    tpu.enqueue_indirect_dma source(%dma_start3A_105 : memref<100000x768xf32, #tpu.memory_space<hbm>>) target(%arg7 : memref<8x768xf32, #tpu.memory_space<vmem>>) offsets(%dma_start3A_102 : memref<8xi32, #tpu.memory_space<vmem>>) semaphore(%arg17 : memref<!tpu.dma_semaphore, #tpu.memory_space<semaphore_mem>>)
    %dma_start3A_106 = arith.constant 1 : i32
    %dma_start3A_107 = arith.constant 0 : i32
    %dma_start3A_108 = tpu.memref_slice %arg6[%dma_start3A_106, %dma_start3A_107] : memref<4x64xi32, #tpu.memory_space<vmem>> -> memref<1x8xi32, #tpu.memory_space<vmem>>
    %dma_start3A_109 = tpu.memref_squeeze %dma_start3A_108 : memref<1x8xi32, #tpu.memory_space<vmem>> -> memref<8xi32, #tpu.memory_space<vmem>>
    %dma_start3A_110 = arith.constant 0 : i32
    %dma_start3A_111 = arith.constant 0 : i32
    %dma_start3A_112 = tpu.memref_slice %arg3[%dma_start3A_110, %dma_start3A_111] : memref<100000x768xf32, #tpu.memory_space<hbm>> -> memref<100000x768xf32, #tpu.memory_space<hbm>>
    tpu.enqueue_indirect_dma source(%dma_start3A_112 : memref<100000x768xf32, #tpu.memory_space<hbm>>) target(%arg8 : memref<8x768xf32, #tpu.memory_space<vmem>>) offsets(%dma_start3A_109 : memref<8xi32, #tpu.memory_space<vmem>>) semaphore(%arg17 : memref<!tpu.dma_semaphore, #tpu.memory_space<semaphore_mem>>)
    %dma_start3A_113 = arith.constant 2 : i32
    %dma_start3A_114 = arith.constant 0 : i32
    %dma_start3A_115 = tpu.memref_slice %arg6[%dma_start3A_113, %dma_start3A_114] : memref<4x64xi32, #tpu.memory_space<vmem>> -> memref<1x8xi32, #tpu.memory_space<vmem>>
    %dma_start3A_116 = tpu.memref_squeeze %dma_start3A_115 : memref<1x8xi32, #tpu.memory_space<vmem>> -> memref<8xi32, #tpu.memory_space<vmem>>
    %dma_start3A_117 = arith.constant 0 : i32
    %dma_start3A_118 = arith.constant 0 : i32
    %dma_start3A_119 = tpu.memref_slice %arg3[%dma_start3A_117, %dma_start3A_118] : memref<100000x768xf32, #tpu.memory_space<hbm>> -> memref<100000x768xf32, #tpu.memory_space<hbm>>
    tpu.enqueue_indirect_dma source(%dma_start3A_119 : memref<100000x768xf32, #tpu.memory_space<hbm>>) target(%arg9 : memref<8x768xf32, #tpu.memory_space<vmem>>) offsets(%dma_start3A_116 : memref<8xi32, #tpu.memory_space<vmem>>) semaphore(%arg17 : memref<!tpu.dma_semaphore, #tpu.memory_space<semaphore_mem>>)
    %dma_start3A_120 = arith.constant 3 : i32
    %dma_start3A_121 = arith.constant 0 : i32
    %dma_start3A_122 = tpu.memref_slice %arg6[%dma_start3A_120, %dma_start3A_121] : memref<4x64xi32, #tpu.memory_space<vmem>> -> memref<1x8xi32, #tpu.memory_space<vmem>>
    %dma_start3A_123 = tpu.memref_squeeze %dma_start3A_122 : memref<1x8xi32, #tpu.memory_space<vmem>> -> memref<8xi32, #tpu.memory_space<vmem>>
    %dma_start3A_124 = arith.constant 0 : i32
    %dma_start3A_125 = arith.constant 0 : i32
    %dma_start3A_126 = tpu.memref_slice %arg3[%dma_start3A_124, %dma_start3A_125] : memref<100000x768xf32, #tpu.memory_space<hbm>> -> memref<100000x768xf32, #tpu.memory_space<hbm>>
    tpu.enqueue_indirect_dma source(%dma_start3A_126 : memref<100000x768xf32, #tpu.memory_space<hbm>>) target(%arg10 : memref<8x768xf32, #tpu.memory_space<vmem>>) offsets(%dma_start3A_123 : memref<8xi32, #tpu.memory_space<vmem>>) semaphore(%arg17 : memref<!tpu.dma_semaphore, #tpu.memory_space<semaphore_mem>>)
    %dma_start3A_127 = arith.constant 0 : i32
    %dma_start3A_128 = tpu.memref_slice %arg4[%add3A_98, %dma_start3A_127] : memref<2048x768xf32, #tpu.memory_space<hbm>> -> memref<8x768xf32, #tpu.memory_space<hbm>>
    %dma_start3A_129 = arith.constant 0 : i32
    %dma_start3A_130 = tpu.memref_slice %arg4[%add3A_98, %dma_start3A_129] : memref<2048x768xf32, #tpu.memory_space<hbm>> -> memref<8x768xf32, #tpu.memory_space<hbm>>
    tpu.enqueue_dma source(%dma_start3A_130 : memref<8x768xf32, #tpu.memory_space<hbm>>) target(%arg15 : memref<8x768xf32, #tpu.memory_space<vmem>>) target_semaphore(%arg17 : memref<!tpu.dma_semaphore, #tpu.memory_space<semaphore_mem>>)
    %scan3A = arith.constant 0 : i32
    %scan3A_131 = arith.constant 4 : i32
    %scan3A_132 = arith.addi %scan3A, %scan3A_131 : i32
    %scan3A_133 = arith.constant 1 : i32
    scf.for %scan3A_199 = %scan3A to %scan3A_132 step %scan3A_133  : i32 {
      %mul3A_200 = arith.constant 1 : i32
      %mul3A_201 = arith.muli %scan3A_199, %mul3A_200 : i32
      %add3A_202 = arith.constant 0 : i32
      %add3A_203 = arith.addi %add3A_202, %mul3A_201 : i32
      %mul3A_204 = arith.constant 2 : i32
      %mul3A_205 = arith.muli %mul3A_204, %add3A_203 : i32
      %add3A_206 = arith.constant 1 : i32
      %add3A_207 = arith.addi %mul3A_205, %add3A_206 : i32
      %lt3A = arith.constant 8 : i32
      %lt3A_208 = arith.cmpi slt, %add3A_207, %lt3A : i32
      %convert_element_type3A = arith.extui %lt3A_208 : i1 to i32
      %cond3A = arith.constant 0 : i32
      %cond3A_209 = arith.cmpi ne, %convert_element_type3A, %cond3A : i32
      scf.if %cond3A_209 {
        %ge3A = arith.constant 1 : i32
        %ge3A_374 = arith.cmpi sge, %mul3A_205, %ge3A : i32
        %convert_element_type3A_375 = arith.extui %ge3A_374 : i1 to i32
        %cond3A_376 = arith.constant 0 : i32
        %cond3A_377 = arith.cmpi ne, %convert_element_type3A_375, %cond3A_376 : i32
        scf.if %cond3A_377 {
          %sub3A = arith.constant 1 : i32
          %sub3A_419 = arith.subi %mul3A_205, %sub3A : i32
          %add3A_420 = arith.constant 0 : i32
          %add3A_421 = arith.addi %add3A_420, %mul3A_2 : i32
          %mul3A_422 = arith.constant 8 : i32
          %mul3A_423 = arith.muli %sub3A_419, %mul3A_422 : i32
          %add3A_424 = arith.addi %add3A_421, %mul3A_423 : i32
          %add3A_425 = arith.constant 2048 : i32
          %add3A_426 = arith.addi %add3A_425, %mul3A_2 : i32
          %mul3A_427 = arith.constant 8 : i32
          %mul3A_428 = arith.muli %sub3A_419, %mul3A_427 : i32
          %add3A_429 = arith.addi %add3A_426, %mul3A_428 : i32
          %add3A_430 = arith.constant 4096 : i32
          %add3A_431 = arith.addi %add3A_430, %mul3A_2 : i32
          %mul3A_432 = arith.constant 8 : i32
          %mul3A_433 = arith.muli %sub3A_419, %mul3A_432 : i32
          %add3A_434 = arith.addi %add3A_431, %mul3A_433 : i32
          %add3A_435 = arith.constant 6144 : i32
          %add3A_436 = arith.addi %add3A_435, %mul3A_2 : i32
          %mul3A_437 = arith.constant 8 : i32
          %mul3A_438 = arith.muli %sub3A_419, %mul3A_437 : i32
          %add3A_439 = arith.addi %add3A_436, %mul3A_438 : i32
          %dma_wait3A_440 = arith.constant 0 : i32
          %dma_wait3A_441 = tpu.memref_slice %arg5[%add3A_424, %dma_wait3A_440] : memref<8192x768xf32, #tpu.memory_space<hbm>> -> memref<8x768xf32, #tpu.memory_space<hbm>>
          %dma_wait3A_442 = arith.constant 0 : i32
          %dma_wait3A_443 = tpu.memref_slice %arg5[%add3A_424, %dma_wait3A_442] : memref<8192x768xf32, #tpu.memory_space<hbm>> -> memref<8x768xf32, #tpu.memory_space<hbm>>
          tpu.wait_dma2 semaphore(%arg20 : memref<!tpu.dma_semaphore, #tpu.memory_space<semaphore_mem>>) src(%arg11 : memref<8x768xf32, #tpu.memory_space<vmem>>) dst(%dma_wait3A_443 : memref<8x768xf32, #tpu.memory_space<hbm>>)
          %dma_wait3A_444 = arith.constant 0 : i32
          %dma_wait3A_445 = tpu.memref_slice %arg5[%add3A_429, %dma_wait3A_444] : memref<8192x768xf32, #tpu.memory_space<hbm>> -> memref<8x768xf32, #tpu.memory_space<hbm>>
          %dma_wait3A_446 = arith.constant 0 : i32
          %dma_wait3A_447 = tpu.memref_slice %arg5[%add3A_429, %dma_wait3A_446] : memref<8192x768xf32, #tpu.memory_space<hbm>> -> memref<8x768xf32, #tpu.memory_space<hbm>>
          tpu.wait_dma2 semaphore(%arg20 : memref<!tpu.dma_semaphore, #tpu.memory_space<semaphore_mem>>) src(%arg12 : memref<8x768xf32, #tpu.memory_space<vmem>>) dst(%dma_wait3A_447 : memref<8x768xf32, #tpu.memory_space<hbm>>)
          %dma_wait3A_448 = arith.constant 0 : i32
          %dma_wait3A_449 = tpu.memref_slice %arg5[%add3A_434, %dma_wait3A_448] : memref<8192x768xf32, #tpu.memory_space<hbm>> -> memref<8x768xf32, #tpu.memory_space<hbm>>
          %dma_wait3A_450 = arith.constant 0 : i32
          %dma_wait3A_451 = tpu.memref_slice %arg5[%add3A_434, %dma_wait3A_450] : memref<8192x768xf32, #tpu.memory_space<hbm>> -> memref<8x768xf32, #tpu.memory_space<hbm>>
          tpu.wait_dma2 semaphore(%arg20 : memref<!tpu.dma_semaphore, #tpu.memory_space<semaphore_mem>>) src(%arg13 : memref<8x768xf32, #tpu.memory_space<vmem>>) dst(%dma_wait3A_451 : memref<8x768xf32, #tpu.memory_space<hbm>>)
          %dma_wait3A_452 = arith.constant 0 : i32
          %dma_wait3A_453 = tpu.memref_slice %arg5[%add3A_439, %dma_wait3A_452] : memref<8192x768xf32, #tpu.memory_space<hbm>> -> memref<8x768xf32, #tpu.memory_space<hbm>>
          %dma_wait3A_454 = arith.constant 0 : i32
          %dma_wait3A_455 = tpu.memref_slice %arg5[%add3A_439, %dma_wait3A_454] : memref<8192x768xf32, #tpu.memory_space<hbm>> -> memref<8x768xf32, #tpu.memory_space<hbm>>
          tpu.wait_dma2 semaphore(%arg20 : memref<!tpu.dma_semaphore, #tpu.memory_space<semaphore_mem>>) src(%arg14 : memref<8x768xf32, #tpu.memory_space<vmem>>) dst(%dma_wait3A_455 : memref<8x768xf32, #tpu.memory_space<hbm>>)
        } else {
        }
        %add3A_378 = arith.constant 1 : i32
        %add3A_379 = arith.addi %mul3A_205, %add3A_378 : i32
        %mul3A_380 = arith.constant 8 : i32
        %mul3A_381 = arith.muli %add3A_379, %mul3A_380 : i32
        %mul3A_382 = arith.constant 8 : i32
        %mul3A_383 = arith.muli %add3A_379, %mul3A_382 : i32
        %mul3A_384 = arith.constant 8 : i32
        %mul3A_385 = arith.muli %add3A_379, %mul3A_384 : i32
        %mul3A_386 = arith.constant 8 : i32
        %mul3A_387 = arith.muli %add3A_379, %mul3A_386 : i32
        %mul3A_388 = arith.constant 8 : i32
        %mul3A_389 = arith.muli %add3A_379, %mul3A_388 : i32
        %add3A_390 = arith.addi %mul3A_2, %mul3A_389 : i32
        %dma_start3A_391 = arith.constant 0 : i32
        %dma_start3A_392 = tpu.memref_slice %arg6[%dma_start3A_391, %mul3A_381] : memref<4x64xi32, #tpu.memory_space<vmem>> -> memref<1x8xi32, #tpu.memory_space<vmem>>
        %dma_start3A_393 = tpu.memref_squeeze %dma_start3A_392 : memref<1x8xi32, #tpu.memory_space<vmem>> -> memref<8xi32, #tpu.memory_space<vmem>>
        %dma_start3A_394 = arith.constant 0 : i32
        %dma_start3A_395 = arith.constant 0 : i32
        %dma_start3A_396 = tpu.memref_slice %arg3[%dma_start3A_394, %dma_start3A_395] : memref<100000x768xf32, #tpu.memory_space<hbm>> -> memref<100000x768xf32, #tpu.memory_space<hbm>>
        tpu.enqueue_indirect_dma source(%dma_start3A_396 : memref<100000x768xf32, #tpu.memory_space<hbm>>) target(%arg11 : memref<8x768xf32, #tpu.memory_space<vmem>>) offsets(%dma_start3A_393 : memref<8xi32, #tpu.memory_space<vmem>>) semaphore(%arg18 : memref<!tpu.dma_semaphore, #tpu.memory_space<semaphore_mem>>)
        %dma_start3A_397 = arith.constant 1 : i32
        %dma_start3A_398 = tpu.memref_slice %arg6[%dma_start3A_397, %mul3A_383] : memref<4x64xi32, #tpu.memory_space<vmem>> -> memref<1x8xi32, #tpu.memory_space<vmem>>
        %dma_start3A_399 = tpu.memref_squeeze %dma_start3A_398 : memref<1x8xi32, #tpu.memory_space<vmem>> -> memref<8xi32, #tpu.memory_space<vmem>>
        %dma_start3A_400 = arith.constant 0 : i32
        %dma_start3A_401 = arith.constant 0 : i32
        %dma_start3A_402 = tpu.memref_slice %arg3[%dma_start3A_400, %dma_start3A_401] : memref<100000x768xf32, #tpu.memory_space<hbm>> -> memref<100000x768xf32, #tpu.memory_space<hbm>>
        tpu.enqueue_indirect_dma source(%dma_start3A_402 : memref<100000x768xf32, #tpu.memory_space<hbm>>) target(%arg12 : memref<8x768xf32, #tpu.memory_space<vmem>>) offsets(%dma_start3A_399 : memref<8xi32, #tpu.memory_space<vmem>>) semaphore(%arg18 : memref<!tpu.dma_semaphore, #tpu.memory_space<semaphore_mem>>)
        %dma_start3A_403 = arith.constant 2 : i32
        %dma_start3A_404 = tpu.memref_slice %arg6[%dma_start3A_403, %mul3A_385] : memref<4x64xi32, #tpu.memory_space<vmem>> -> memref<1x8xi32, #tpu.memory_space<vmem>>
        %dma_start3A_405 = tpu.memref_squeeze %dma_start3A_404 : memref<1x8xi32, #tpu.memory_space<vmem>> -> memref<8xi32, #tpu.memory_space<vmem>>
        %dma_start3A_406 = arith.constant 0 : i32
        %dma_start3A_407 = arith.constant 0 : i32
        %dma_start3A_408 = tpu.memref_slice %arg3[%dma_start3A_406, %dma_start3A_407] : memref<100000x768xf32, #tpu.memory_space<hbm>> -> memref<100000x768xf32, #tpu.memory_space<hbm>>
        tpu.enqueue_indirect_dma source(%dma_start3A_408 : memref<100000x768xf32, #tpu.memory_space<hbm>>) target(%arg13 : memref<8x768xf32, #tpu.memory_space<vmem>>) offsets(%dma_start3A_405 : memref<8xi32, #tpu.memory_space<vmem>>) semaphore(%arg18 : memref<!tpu.dma_semaphore, #tpu.memory_space<semaphore_mem>>)
        %dma_start3A_409 = arith.constant 3 : i32
        %dma_start3A_410 = tpu.memref_slice %arg6[%dma_start3A_409, %mul3A_387] : memref<4x64xi32, #tpu.memory_space<vmem>> -> memref<1x8xi32, #tpu.memory_space<vmem>>
        %dma_start3A_411 = tpu.memref_squeeze %dma_start3A_410 : memref<1x8xi32, #tpu.memory_space<vmem>> -> memref<8xi32, #tpu.memory_space<vmem>>
        %dma_start3A_412 = arith.constant 0 : i32
        %dma_start3A_413 = arith.constant 0 : i32
        %dma_start3A_414 = tpu.memref_slice %arg3[%dma_start3A_412, %dma_start3A_413] : memref<100000x768xf32, #tpu.memory_space<hbm>> -> memref<100000x768xf32, #tpu.memory_space<hbm>>
        tpu.enqueue_indirect_dma source(%dma_start3A_414 : memref<100000x768xf32, #tpu.memory_space<hbm>>) target(%arg14 : memref<8x768xf32, #tpu.memory_space<vmem>>) offsets(%dma_start3A_411 : memref<8xi32, #tpu.memory_space<vmem>>) semaphore(%arg18 : memref<!tpu.dma_semaphore, #tpu.memory_space<semaphore_mem>>)
        %dma_start3A_415 = arith.constant 0 : i32
        %dma_start3A_416 = tpu.memref_slice %arg4[%add3A_390, %dma_start3A_415] : memref<2048x768xf32, #tpu.memory_space<hbm>> -> memref<8x768xf32, #tpu.memory_space<hbm>>
        %dma_start3A_417 = arith.constant 0 : i32
        %dma_start3A_418 = tpu.memref_slice %arg4[%add3A_390, %dma_start3A_417] : memref<2048x768xf32, #tpu.memory_space<hbm>> -> memref<8x768xf32, #tpu.memory_space<hbm>>
        tpu.enqueue_dma source(%dma_start3A_418 : memref<8x768xf32, #tpu.memory_space<hbm>>) target(%arg16 : memref<8x768xf32, #tpu.memory_space<vmem>>) target_semaphore(%arg18 : memref<!tpu.dma_semaphore, #tpu.memory_space<semaphore_mem>>)
      } else {
      }
      %mul3A_210 = arith.constant 8 : i32
      %mul3A_211 = arith.muli %mul3A_205, %mul3A_210 : i32
      %mul3A_212 = arith.constant 8 : i32
      %mul3A_213 = arith.muli %mul3A_205, %mul3A_212 : i32
      %mul3A_214 = arith.constant 8 : i32
      %mul3A_215 = arith.muli %mul3A_205, %mul3A_214 : i32
      %mul3A_216 = arith.constant 8 : i32
      %mul3A_217 = arith.muli %mul3A_205, %mul3A_216 : i32
      %mul3A_218 = arith.constant 8 : i32
      %mul3A_219 = arith.muli %mul3A_205, %mul3A_218 : i32
      %add3A_220 = arith.addi %mul3A_2, %mul3A_219 : i32
      %dma_wait3A_221 = arith.constant 0 : i32
      %dma_wait3A_222 = tpu.memref_slice %arg6[%dma_wait3A_221, %mul3A_211] : memref<4x64xi32, #tpu.memory_space<vmem>> -> memref<1x8xi32, #tpu.memory_space<vmem>>
      %dma_wait3A_223 = tpu.memref_squeeze %dma_wait3A_222 : memref<1x8xi32, #tpu.memory_space<vmem>> -> memref<8xi32, #tpu.memory_space<vmem>>
      %dma_wait3A_224 = arith.constant 0 : i32
      %dma_wait3A_225 = arith.constant 0 : i32
      %dma_wait3A_226 = tpu.memref_slice %arg3[%dma_wait3A_224, %dma_wait3A_225] : memref<100000x768xf32, #tpu.memory_space<hbm>> -> memref<100000x768xf32, #tpu.memory_space<hbm>>
      tpu.wait_indirect_dma semaphore(%arg17 : memref<!tpu.dma_semaphore, #tpu.memory_space<semaphore_mem>>) src(%dma_wait3A_226 : memref<100000x768xf32, #tpu.memory_space<hbm>>) dst(%arg7 : memref<8x768xf32, #tpu.memory_space<vmem>>)
      %dma_wait3A_227 = arith.constant 1 : i32
      %dma_wait3A_228 = tpu.memref_slice %arg6[%dma_wait3A_227, %mul3A_213] : memref<4x64xi32, #tpu.memory_space<vmem>> -> memref<1x8xi32, #tpu.memory_space<vmem>>
      %dma_wait3A_229 = tpu.memref_squeeze %dma_wait3A_228 : memref<1x8xi32, #tpu.memory_space<vmem>> -> memref<8xi32, #tpu.memory_space<vmem>>
      %dma_wait3A_230 = arith.constant 0 : i32
      %dma_wait3A_231 = arith.constant 0 : i32
      %dma_wait3A_232 = tpu.memref_slice %arg3[%dma_wait3A_230, %dma_wait3A_231] : memref<100000x768xf32, #tpu.memory_space<hbm>> -> memref<100000x768xf32, #tpu.memory_space<hbm>>
      tpu.wait_indirect_dma semaphore(%arg17 : memref<!tpu.dma_semaphore, #tpu.memory_space<semaphore_mem>>) src(%dma_wait3A_232 : memref<100000x768xf32, #tpu.memory_space<hbm>>) dst(%arg8 : memref<8x768xf32, #tpu.memory_space<vmem>>)
      %dma_wait3A_233 = arith.constant 2 : i32
      %dma_wait3A_234 = tpu.memref_slice %arg6[%dma_wait3A_233, %mul3A_215] : memref<4x64xi32, #tpu.memory_space<vmem>> -> memref<1x8xi32, #tpu.memory_space<vmem>>
      %dma_wait3A_235 = tpu.memref_squeeze %dma_wait3A_234 : memref<1x8xi32, #tpu.memory_space<vmem>> -> memref<8xi32, #tpu.memory_space<vmem>>
      %dma_wait3A_236 = arith.constant 0 : i32
      %dma_wait3A_237 = arith.constant 0 : i32
      %dma_wait3A_238 = tpu.memref_slice %arg3[%dma_wait3A_236, %dma_wait3A_237] : memref<100000x768xf32, #tpu.memory_space<hbm>> -> memref<100000x768xf32, #tpu.memory_space<hbm>>
      tpu.wait_indirect_dma semaphore(%arg17 : memref<!tpu.dma_semaphore, #tpu.memory_space<semaphore_mem>>) src(%dma_wait3A_238 : memref<100000x768xf32, #tpu.memory_space<hbm>>) dst(%arg9 : memref<8x768xf32, #tpu.memory_space<vmem>>)
      %dma_wait3A_239 = arith.constant 3 : i32
      %dma_wait3A_240 = tpu.memref_slice %arg6[%dma_wait3A_239, %mul3A_217] : memref<4x64xi32, #tpu.memory_space<vmem>> -> memref<1x8xi32, #tpu.memory_space<vmem>>
      %dma_wait3A_241 = tpu.memref_squeeze %dma_wait3A_240 : memref<1x8xi32, #tpu.memory_space<vmem>> -> memref<8xi32, #tpu.memory_space<vmem>>
      %dma_wait3A_242 = arith.constant 0 : i32
      %dma_wait3A_243 = arith.constant 0 : i32
      %dma_wait3A_244 = tpu.memref_slice %arg3[%dma_wait3A_242, %dma_wait3A_243] : memref<100000x768xf32, #tpu.memory_space<hbm>> -> memref<100000x768xf32, #tpu.memory_space<hbm>>
      tpu.wait_indirect_dma semaphore(%arg17 : memref<!tpu.dma_semaphore, #tpu.memory_space<semaphore_mem>>) src(%dma_wait3A_244 : memref<100000x768xf32, #tpu.memory_space<hbm>>) dst(%arg10 : memref<8x768xf32, #tpu.memory_space<vmem>>)
      %dma_wait3A_245 = arith.constant 0 : i32
      %dma_wait3A_246 = tpu.memref_slice %arg4[%add3A_220, %dma_wait3A_245] : memref<2048x768xf32, #tpu.memory_space<hbm>> -> memref<8x768xf32, #tpu.memory_space<hbm>>
      %dma_wait3A_247 = arith.constant 0 : i32
      %dma_wait3A_248 = tpu.memref_slice %arg4[%add3A_220, %dma_wait3A_247] : memref<2048x768xf32, #tpu.memory_space<hbm>> -> memref<8x768xf32, #tpu.memory_space<hbm>>
      tpu.wait_dma2 semaphore(%arg17 : memref<!tpu.dma_semaphore, #tpu.memory_space<semaphore_mem>>) src(%dma_wait3A_248 : memref<8x768xf32, #tpu.memory_space<hbm>>) dst(%arg15 : memref<8x768xf32, #tpu.memory_space<vmem>>)
      %parallel_loop3A = arith.constant 0 : i32
      %parallel_loop3A_249 = arith.constant 48 : i32
      %parallel_loop3A_250 = arith.constant 1 : i32
      scf.for %parallel_loop3A_374 = %parallel_loop3A to %parallel_loop3A_249 step %parallel_loop3A_250  : i32 {
        %parallel_loop3A_375 = arith.constant 16 : i32
        %parallel_loop3A_376 = arith.muli %parallel_loop3A_374, %parallel_loop3A_375 : i32
        %parallel_loop3A_377 = arith.constant 0 : i32
        %parallel_loop3A_378 = arith.index_cast %parallel_loop3A_377 : i32 to index
        %parallel_loop3A_379 = arith.index_cast %parallel_loop3A_376 : i32 to index
        %parallel_loop3A_380 = tpu.vector_load %arg15[%parallel_loop3A_378, %parallel_loop3A_379] {strides = array<i32>} : memref<8x768xf32, #tpu.memory_space<vmem>>, vector<1x16xf32>,
        %parallel_loop3A_381 = vector.shape_cast %parallel_loop3A_380 : vector<1x16xf32> to vector<16xf32>
        %parallel_loop3A_382 = arith.constant 0 : i32
        %parallel_loop3A_383 = arith.index_cast %parallel_loop3A_382 : i32 to index
        %parallel_loop3A_384 = arith.index_cast %parallel_loop3A_376 : i32 to index
        %parallel_loop3A_385 = tpu.vector_load %arg7[%parallel_loop3A_383, %parallel_loop3A_384] {strides = array<i32>} : memref<8x768xf32, #tpu.memory_space<vmem>>, vector<1x16xf32>,
        %parallel_loop3A_386 = vector.shape_cast %parallel_loop3A_385 : vector<1x16xf32> to vector<16xf32>
        %parallel_loop3A_387 = vector.shape_cast %parallel_loop3A_381 : vector<16xf32> to vector<1x16xf32>
        tpu.vector_store %arg7[%parallel_loop3A_383, %parallel_loop3A_384], %parallel_loop3A_387 {add = true, strides = array<i32>} : memref<8x768xf32, #tpu.memory_space<vmem>>, vector<1x16xf32>,
        %parallel_loop3A_388 = arith.constant 0 : i32
        %parallel_loop3A_389 = arith.index_cast %parallel_loop3A_388 : i32 to index
        %parallel_loop3A_390 = arith.index_cast %parallel_loop3A_376 : i32 to index
        %parallel_loop3A_391 = tpu.vector_load %arg8[%parallel_loop3A_389, %parallel_loop3A_390] {strides = array<i32>} : memref<8x768xf32, #tpu.memory_space<vmem>>, vector<1x16xf32>,
        %parallel_loop3A_392 = vector.shape_cast %parallel_loop3A_391 : vector<1x16xf32> to vector<16xf32>
        %parallel_loop3A_393 = vector.shape_cast %parallel_loop3A_381 : vector<16xf32> to vector<1x16xf32>
        tpu.vector_store %arg8[%parallel_loop3A_389, %parallel_loop3A_390], %parallel_loop3A_393 {add = true, strides = array<i32>} : memref<8x768xf32, #tpu.memory_space<vmem>>, vector<1x16xf32>,
        %parallel_loop3A_394 = arith.constant 0 : i32
        %parallel_loop3A_395 = arith.index_cast %parallel_loop3A_394 : i32 to index
        %parallel_loop3A_396 = arith.index_cast %parallel_loop3A_376 : i32 to index
        %parallel_loop3A_397 = tpu.vector_load %arg9[%parallel_loop3A_395, %parallel_loop3A_396] {strides = array<i32>} : memref<8x768xf32, #tpu.memory_space<vmem>>, vector<1x16xf32>,
        %parallel_loop3A_398 = vector.shape_cast %parallel_loop3A_397 : vector<1x16xf32> to vector<16xf32>
        %parallel_loop3A_399 = vector.shape_cast %parallel_loop3A_381 : vector<16xf32> to vector<1x16xf32>
        tpu.vector_store %arg9[%parallel_loop3A_395, %parallel_loop3A_396], %parallel_loop3A_399 {add = true, strides = array<i32>} : memref<8x768xf32, #tpu.memory_space<vmem>>, vector<1x16xf32>,
        %parallel_loop3A_400 = arith.constant 0 : i32
        %parallel_loop3A_401 = arith.index_cast %parallel_loop3A_400 : i32 to index
        %parallel_loop3A_402 = arith.index_cast %parallel_loop3A_376 : i32 to index
        %parallel_loop3A_403 = tpu.vector_load %arg10[%parallel_loop3A_401, %parallel_loop3A_402] {strides = array<i32>} : memref<8x768xf32, #tpu.memory_space<vmem>>, vector<1x16xf32>,
        %parallel_loop3A_404 = vector.shape_cast %parallel_loop3A_403 : vector<1x16xf32> to vector<16xf32>
        %parallel_loop3A_405 = vector.shape_cast %parallel_loop3A_381 : vector<16xf32> to vector<1x16xf32>
        tpu.vector_store %arg10[%parallel_loop3A_401, %parallel_loop3A_402], %parallel_loop3A_405 {add = true, strides = array<i32>} : memref<8x768xf32, #tpu.memory_space<vmem>>, vector<1x16xf32>,
        %parallel_loop3A_406 = arith.constant 1 : i32
        %parallel_loop3A_407 = arith.index_cast %parallel_loop3A_406 : i32 to index
        %parallel_loop3A_408 = arith.index_cast %parallel_loop3A_376 : i32 to index
        %parallel_loop3A_409 = tpu.vector_load %arg15[%parallel_loop3A_407, %parallel_loop3A_408] {strides = array<i32>} : memref<8x768xf32, #tpu.memory_space<vmem>>, vector<1x16xf32>,
        %parallel_loop3A_410 = vector.shape_cast %parallel_loop3A_409 : vector<1x16xf32> to vector<16xf32>
        %parallel_loop3A_411 = arith.constant 1 : i32
        %parallel_loop3A_412 = arith.index_cast %parallel_loop3A_411 : i32 to index
        %parallel_loop3A_413 = arith.index_cast %parallel_loop3A_376 : i32 to index
        %parallel_loop3A_414 = tpu.vector_load %arg7[%parallel_loop3A_412, %parallel_loop3A_413] {strides = array<i32>} : memref<8x768xf32, #tpu.memory_space<vmem>>, vector<1x16xf32>,
        %parallel_loop3A_415 = vector.shape_cast %parallel_loop3A_414 : vector<1x16xf32> to vector<16xf32>
        %parallel_loop3A_416 = vector.shape_cast %parallel_loop3A_410 : vector<16xf32> to vector<1x16xf32>
        tpu.vector_store %arg7[%parallel_loop3A_412, %parallel_loop3A_413], %parallel_loop3A_416 {add = true, strides = array<i32>} : memref<8x768xf32, #tpu.memory_space<vmem>>, vector<1x16xf32>,
        %parallel_loop3A_417 = arith.constant 1 : i32
        %parallel_loop3A_418 = arith.index_cast %parallel_loop3A_417 : i32 to index
        %parallel_loop3A_419 = arith.index_cast %parallel_loop3A_376 : i32 to index
        %parallel_loop3A_420 = tpu.vector_load %arg8[%parallel_loop3A_418, %parallel_loop3A_419] {strides = array<i32>} : memref<8x768xf32, #tpu.memory_space<vmem>>, vector<1x16xf32>,
        %parallel_loop3A_421 = vector.shape_cast %parallel_loop3A_420 : vector<1x16xf32> to vector<16xf32>
        %parallel_loop3A_422 = vector.shape_cast %parallel_loop3A_410 : vector<16xf32> to vector<1x16xf32>
        tpu.vector_store %arg8[%parallel_loop3A_418, %parallel_loop3A_419], %parallel_loop3A_422 {add = true, strides = array<i32>} : memref<8x768xf32, #tpu.memory_space<vmem>>, vector<1x16xf32>,
        %parallel_loop3A_423 = arith.constant 1 : i32
        %parallel_loop3A_424 = arith.index_cast %parallel_loop3A_423 : i32 to index
        %parallel_loop3A_425 = arith.index_cast %parallel_loop3A_376 : i32 to index
        %parallel_loop3A_426 = tpu.vector_load %arg9[%parallel_loop3A_424, %parallel_loop3A_425] {strides = array<i32>} : memref<8x768xf32, #tpu.memory_space<vmem>>, vector<1x16xf32>,
        %parallel_loop3A_427 = vector.shape_cast %parallel_loop3A_426 : vector<1x16xf32> to vector<16xf32>
        %parallel_loop3A_428 = vector.shape_cast %parallel_loop3A_410 : vector<16xf32> to vector<1x16xf32>
        tpu.vector_store %arg9[%parallel_loop3A_424, %parallel_loop3A_425], %parallel_loop3A_428 {add = true, strides = array<i32>} : memref<8x768xf32, #tpu.memory_space<vmem>>, vector<1x16xf32>,
        %parallel_loop3A_429 = arith.constant 1 : i32
        %parallel_loop3A_430 = arith.index_cast %parallel_loop3A_429 : i32 to index
        %parallel_loop3A_431 = arith.index_cast %parallel_loop3A_376 : i32 to index
        %parallel_loop3A_432 = tpu.vector_load %arg10[%parallel_loop3A_430, %parallel_loop3A_431] {strides = array<i32>} : memref<8x768xf32, #tpu.memory_space<vmem>>, vector<1x16xf32>,
        %parallel_loop3A_433 = vector.shape_cast %parallel_loop3A_432 : vector<1x16xf32> to vector<16xf32>
        %parallel_loop3A_434 = vector.shape_cast %parallel_loop3A_410 : vector<16xf32> to vector<1x16xf32>
        tpu.vector_store %arg10[%parallel_loop3A_430, %parallel_loop3A_431], %parallel_loop3A_434 {add = true, strides = array<i32>} : memref<8x768xf32, #tpu.memory_space<vmem>>, vector<1x16xf32>,
        %parallel_loop3A_435 = arith.constant 2 : i32
        %parallel_loop3A_436 = arith.index_cast %parallel_loop3A_435 : i32 to index
        %parallel_loop3A_437 = arith.index_cast %parallel_loop3A_376 : i32 to index
        %parallel_loop3A_438 = tpu.vector_load %arg15[%parallel_loop3A_436, %parallel_loop3A_437] {strides = array<i32>} : memref<8x768xf32, #tpu.memory_space<vmem>>, vector<1x16xf32>,
        %parallel_loop3A_439 = vector.shape_cast %parallel_loop3A_438 : vector<1x16xf32> to vector<16xf32>
        %parallel_loop3A_440 = arith.constant 2 : i32
        %parallel_loop3A_441 = arith.index_cast %parallel_loop3A_440 : i32 to index
        %parallel_loop3A_442 = arith.index_cast %parallel_loop3A_376 : i32 to index
        %parallel_loop3A_443 = tpu.vector_load %arg7[%parallel_loop3A_441, %parallel_loop3A_442] {strides = array<i32>} : memref<8x768xf32, #tpu.memory_space<vmem>>, vector<1x16xf32>,
        %parallel_loop3A_444 = vector.shape_cast %parallel_loop3A_443 : vector<1x16xf32> to vector<16xf32>
        %parallel_loop3A_445 = vector.shape_cast %parallel_loop3A_439 : vector<16xf32> to vector<1x16xf32>
        tpu.vector_store %arg7[%parallel_loop3A_441, %parallel_loop3A_442], %parallel_loop3A_445 {add = true, strides = array<i32>} : memref<8x768xf32, #tpu.memory_space<vmem>>, vector<1x16xf32>,
        %parallel_loop3A_446 = arith.constant 2 : i32
        %parallel_loop3A_447 = arith.index_cast %parallel_loop3A_446 : i32 to index
        %parallel_loop3A_448 = arith.index_cast %parallel_loop3A_376 : i32 to index
        %parallel_loop3A_449 = tpu.vector_load %arg8[%parallel_loop3A_447, %parallel_loop3A_448] {strides = array<i32>} : memref<8x768xf32, #tpu.memory_space<vmem>>, vector<1x16xf32>,
        %parallel_loop3A_450 = vector.shape_cast %parallel_loop3A_449 : vector<1x16xf32> to vector<16xf32>
        %parallel_loop3A_451 = vector.shape_cast %parallel_loop3A_439 : vector<16xf32> to vector<1x16xf32>
        tpu.vector_store %arg8[%parallel_loop3A_447, %parallel_loop3A_448], %parallel_loop3A_451 {add = true, strides = array<i32>} : memref<8x768xf32, #tpu.memory_space<vmem>>, vector<1x16xf32>,
        %parallel_loop3A_452 = arith.constant 2 : i32
        %parallel_loop3A_453 = arith.index_cast %parallel_loop3A_452 : i32 to index
        %parallel_loop3A_454 = arith.index_cast %parallel_loop3A_376 : i32 to index
        %parallel_loop3A_455 = tpu.vector_load %arg9[%parallel_loop3A_453, %parallel_loop3A_454] {strides = array<i32>} : memref<8x768xf32, #tpu.memory_space<vmem>>, vector<1x16xf32>,
        %parallel_loop3A_456 = vector.shape_cast %parallel_loop3A_455 : vector<1x16xf32> to vector<16xf32>
        %parallel_loop3A_457 = vector.shape_cast %parallel_loop3A_439 : vector<16xf32> to vector<1x16xf32>
        tpu.vector_store %arg9[%parallel_loop3A_453, %parallel_loop3A_454], %parallel_loop3A_457 {add = true, strides = array<i32>} : memref<8x768xf32, #tpu.memory_space<vmem>>, vector<1x16xf32>,
        %parallel_loop3A_458 = arith.constant 2 : i32
        %parallel_loop3A_459 = arith.index_cast %parallel_loop3A_458 : i32 to index
        %parallel_loop3A_460 = arith.index_cast %parallel_loop3A_376 : i32 to index
        %parallel_loop3A_461 = tpu.vector_load %arg10[%parallel_loop3A_459, %parallel_loop3A_460] {strides = array<i32>} : memref<8x768xf32, #tpu.memory_space<vmem>>, vector<1x16xf32>,
        %parallel_loop3A_462 = vector.shape_cast %parallel_loop3A_461 : vector<1x16xf32> to vector<16xf32>
        %parallel_loop3A_463 = vector.shape_cast %parallel_loop3A_439 : vector<16xf32> to vector<1x16xf32>
        tpu.vector_store %arg10[%parallel_loop3A_459, %parallel_loop3A_460], %parallel_loop3A_463 {add = true, strides = array<i32>} : memref<8x768xf32, #tpu.memory_space<vmem>>, vector<1x16xf32>,
        %parallel_loop3A_464 = arith.constant 3 : i32
        %parallel_loop3A_465 = arith.index_cast %parallel_loop3A_464 : i32 to index
        %parallel_loop3A_466 = arith.index_cast %parallel_loop3A_376 : i32 to index
        %parallel_loop3A_467 = tpu.vector_load %arg15[%parallel_loop3A_465, %parallel_loop3A_466] {strides = array<i32>} : memref<8x768xf32, #tpu.memory_space<vmem>>, vector<1x16xf32>,
        %parallel_loop3A_468 = vector.shape_cast %parallel_loop3A_467 : vector<1x16xf32> to vector<16xf32>
        %parallel_loop3A_469 = arith.constant 3 : i32
        %parallel_loop3A_470 = arith.index_cast %parallel_loop3A_469 : i32 to index
        %parallel_loop3A_471 = arith.index_cast %parallel_loop3A_376 : i32 to index
        %parallel_loop3A_472 = tpu.vector_load %arg7[%parallel_loop3A_470, %parallel_loop3A_471] {strides = array<i32>} : memref<8x768xf32, #tpu.memory_space<vmem>>, vector<1x16xf32>,
        %parallel_loop3A_473 = vector.shape_cast %parallel_loop3A_472 : vector<1x16xf32> to vector<16xf32>
        %parallel_loop3A_474 = vector.shape_cast %parallel_loop3A_468 : vector<16xf32> to vector<1x16xf32>
        tpu.vector_store %arg7[%parallel_loop3A_470, %parallel_loop3A_471], %parallel_loop3A_474 {add = true, strides = array<i32>} : memref<8x768xf32, #tpu.memory_space<vmem>>, vector<1x16xf32>,
        %parallel_loop3A_475 = arith.constant 3 : i32
        %parallel_loop3A_476 = arith.index_cast %parallel_loop3A_475 : i32 to index
        %parallel_loop3A_477 = arith.index_cast %parallel_loop3A_376 : i32 to index
        %parallel_loop3A_478 = tpu.vector_load %arg8[%parallel_loop3A_476, %parallel_loop3A_477] {strides = array<i32>} : memref<8x768xf32, #tpu.memory_space<vmem>>, vector<1x16xf32>,
        %parallel_loop3A_479 = vector.shape_cast %parallel_loop3A_478 : vector<1x16xf32> to vector<16xf32>
        %parallel_loop3A_480 = vector.shape_cast %parallel_loop3A_468 : vector<16xf32> to vector<1x16xf32>
        tpu.vector_store %arg8[%parallel_loop3A_476, %parallel_loop3A_477], %parallel_loop3A_480 {add = true, strides = array<i32>} : memref<8x768xf32, #tpu.memory_space<vmem>>, vector<1x16xf32>,
        %parallel_loop3A_481 = arith.constant 3 : i32
        %parallel_loop3A_482 = arith.index_cast %parallel_loop3A_481 : i32 to index
        %parallel_loop3A_483 = arith.index_cast %parallel_loop3A_376 : i32 to index
        %parallel_loop3A_484 = tpu.vector_load %arg9[%parallel_loop3A_482, %parallel_loop3A_483] {strides = array<i32>} : memref<8x768xf32, #tpu.memory_space<vmem>>, vector<1x16xf32>,
        %parallel_loop3A_485 = vector.shape_cast %parallel_loop3A_484 : vector<1x16xf32> to vector<16xf32>
        %parallel_loop3A_486 = vector.shape_cast %parallel_loop3A_468 : vector<16xf32> to vector<1x16xf32>
        tpu.vector_store %arg9[%parallel_loop3A_482, %parallel_loop3A_483], %parallel_loop3A_486 {add = true, strides = array<i32>} : memref<8x768xf32, #tpu.memory_space<vmem>>, vector<1x16xf32>,
        %parallel_loop3A_487 = arith.constant 3 : i32
        %parallel_loop3A_488 = arith.index_cast %parallel_loop3A_487 : i32 to index
        %parallel_loop3A_489 = arith.index_cast %parallel_loop3A_376 : i32 to index
        %parallel_loop3A_490 = tpu.vector_load %arg10[%parallel_loop3A_488, %parallel_loop3A_489] {strides = array<i32>} : memref<8x768xf32, #tpu.memory_space<vmem>>, vector<1x16xf32>,
        %parallel_loop3A_491 = vector.shape_cast %parallel_loop3A_490 : vector<1x16xf32> to vector<16xf32>
        %parallel_loop3A_492 = vector.shape_cast %parallel_loop3A_468 : vector<16xf32> to vector<1x16xf32>
        tpu.vector_store %arg10[%parallel_loop3A_488, %parallel_loop3A_489], %parallel_loop3A_492 {add = true, strides = array<i32>} : memref<8x768xf32, #tpu.memory_space<vmem>>, vector<1x16xf32>,
        %parallel_loop3A_493 = arith.constant 4 : i32
        %parallel_loop3A_494 = arith.index_cast %parallel_loop3A_493 : i32 to index
        %parallel_loop3A_495 = arith.index_cast %parallel_loop3A_376 : i32 to index
        %parallel_loop3A_496 = tpu.vector_load %arg15[%parallel_loop3A_494, %parallel_loop3A_495] {strides = array<i32>} : memref<8x768xf32, #tpu.memory_space<vmem>>, vector<1x16xf32>,
        %parallel_loop3A_497 = vector.shape_cast %parallel_loop3A_496 : vector<1x16xf32> to vector<16xf32>
        %parallel_loop3A_498 = arith.constant 4 : i32
        %parallel_loop3A_499 = arith.index_cast %parallel_loop3A_498 : i32 to index
        %parallel_loop3A_500 = arith.index_cast %parallel_loop3A_376 : i32 to index
        %parallel_loop3A_501 = tpu.vector_load %arg7[%parallel_loop3A_499, %parallel_loop3A_500] {strides = array<i32>} : memref<8x768xf32, #tpu.memory_space<vmem>>, vector<1x16xf32>,
        %parallel_loop3A_502 = vector.shape_cast %parallel_loop3A_501 : vector<1x16xf32> to vector<16xf32>
        %parallel_loop3A_503 = vector.shape_cast %parallel_loop3A_497 : vector<16xf32> to vector<1x16xf32>
        tpu.vector_store %arg7[%parallel_loop3A_499, %parallel_loop3A_500], %parallel_loop3A_503 {add = true, strides = array<i32>} : memref<8x768xf32, #tpu.memory_space<vmem>>, vector<1x16xf32>,
        %parallel_loop3A_504 = arith.constant 4 : i32
        %parallel_loop3A_505 = arith.index_cast %parallel_loop3A_504 : i32 to index
        %parallel_loop3A_506 = arith.index_cast %parallel_loop3A_376 : i32 to index
        %parallel_loop3A_507 = tpu.vector_load %arg8[%parallel_loop3A_505, %parallel_loop3A_506] {strides = array<i32>} : memref<8x768xf32, #tpu.memory_space<vmem>>, vector<1x16xf32>,
        %parallel_loop3A_508 = vector.shape_cast %parallel_loop3A_507 : vector<1x16xf32> to vector<16xf32>
        %parallel_loop3A_509 = vector.shape_cast %parallel_loop3A_497 : vector<16xf32> to vector<1x16xf32>
        tpu.vector_store %arg8[%parallel_loop3A_505, %parallel_loop3A_506], %parallel_loop3A_509 {add = true, strides = array<i32>} : memref<8x768xf32, #tpu.memory_space<vmem>>, vector<1x16xf32>,
        %parallel_loop3A_510 = arith.constant 4 : i32
        %parallel_loop3A_511 = arith.index_cast %parallel_loop3A_510 : i32 to index
        %parallel_loop3A_512 = arith.index_cast %parallel_loop3A_376 : i32 to index
        %parallel_loop3A_513 = tpu.vector_load %arg9[%parallel_loop3A_511, %parallel_loop3A_512] {strides = array<i32>} : memref<8x768xf32, #tpu.memory_space<vmem>>, vector<1x16xf32>,
        %parallel_loop3A_514 = vector.shape_cast %parallel_loop3A_513 : vector<1x16xf32> to vector<16xf32>
        %parallel_loop3A_515 = vector.shape_cast %parallel_loop3A_497 : vector<16xf32> to vector<1x16xf32>
        tpu.vector_store %arg9[%parallel_loop3A_511, %parallel_loop3A_512], %parallel_loop3A_515 {add = true, strides = array<i32>} : memref<8x768xf32, #tpu.memory_space<vmem>>, vector<1x16xf32>,
        %parallel_loop3A_516 = arith.constant 4 : i32
        %parallel_loop3A_517 = arith.index_cast %parallel_loop3A_516 : i32 to index
        %parallel_loop3A_518 = arith.index_cast %parallel_loop3A_376 : i32 to index
        %parallel_loop3A_519 = tpu.vector_load %arg10[%parallel_loop3A_517, %parallel_loop3A_518] {strides = array<i32>} : memref<8x768xf32, #tpu.memory_space<vmem>>, vector<1x16xf32>,
        %parallel_loop3A_520 = vector.shape_cast %parallel_loop3A_519 : vector<1x16xf32> to vector<16xf32>
        %parallel_loop3A_521 = vector.shape_cast %parallel_loop3A_497 : vector<16xf32> to vector<1x16xf32>
        tpu.vector_store %arg10[%parallel_loop3A_517, %parallel_loop3A_518], %parallel_loop3A_521 {add = true, strides = array<i32>} : memref<8x768xf32, #tpu.memory_space<vmem>>, vector<1x16xf32>,
        %parallel_loop3A_522 = arith.constant 5 : i32
        %parallel_loop3A_523 = arith.index_cast %parallel_loop3A_522 : i32 to index
        %parallel_loop3A_524 = arith.index_cast %parallel_loop3A_376 : i32 to index
        %parallel_loop3A_525 = tpu.vector_load %arg15[%parallel_loop3A_523, %parallel_loop3A_524] {strides = array<i32>} : memref<8x768xf32, #tpu.memory_space<vmem>>, vector<1x16xf32>,
        %parallel_loop3A_526 = vector.shape_cast %parallel_loop3A_525 : vector<1x16xf32> to vector<16xf32>
        %parallel_loop3A_527 = arith.constant 5 : i32
        %parallel_loop3A_528 = arith.index_cast %parallel_loop3A_527 : i32 to index
        %parallel_loop3A_529 = arith.index_cast %parallel_loop3A_376 : i32 to index
        %parallel_loop3A_530 = tpu.vector_load %arg7[%parallel_loop3A_528, %parallel_loop3A_529] {strides = array<i32>} : memref<8x768xf32, #tpu.memory_space<vmem>>, vector<1x16xf32>,
        %parallel_loop3A_531 = vector.shape_cast %parallel_loop3A_530 : vector<1x16xf32> to vector<16xf32>
        %parallel_loop3A_532 = vector.shape_cast %parallel_loop3A_526 : vector<16xf32> to vector<1x16xf32>
        tpu.vector_store %arg7[%parallel_loop3A_528, %parallel_loop3A_529], %parallel_loop3A_532 {add = true, strides = array<i32>} : memref<8x768xf32, #tpu.memory_space<vmem>>, vector<1x16xf32>,
        %parallel_loop3A_533 = arith.constant 5 : i32
        %parallel_loop3A_534 = arith.index_cast %parallel_loop3A_533 : i32 to index
        %parallel_loop3A_535 = arith.index_cast %parallel_loop3A_376 : i32 to index
        %parallel_loop3A_536 = tpu.vector_load %arg8[%parallel_loop3A_534, %parallel_loop3A_535] {strides = array<i32>} : memref<8x768xf32, #tpu.memory_space<vmem>>, vector<1x16xf32>,
        %parallel_loop3A_537 = vector.shape_cast %parallel_loop3A_536 : vector<1x16xf32> to vector<16xf32>
        %parallel_loop3A_538 = vector.shape_cast %parallel_loop3A_526 : vector<16xf32> to vector<1x16xf32>
        tpu.vector_store %arg8[%parallel_loop3A_534, %parallel_loop3A_535], %parallel_loop3A_538 {add = true, strides = array<i32>} : memref<8x768xf32, #tpu.memory_space<vmem>>, vector<1x16xf32>,
        %parallel_loop3A_539 = arith.constant 5 : i32
        %parallel_loop3A_540 = arith.index_cast %parallel_loop3A_539 : i32 to index
        %parallel_loop3A_541 = arith.index_cast %parallel_loop3A_376 : i32 to index
        %parallel_loop3A_542 = tpu.vector_load %arg9[%parallel_loop3A_540, %parallel_loop3A_541] {strides = array<i32>} : memref<8x768xf32, #tpu.memory_space<vmem>>, vector<1x16xf32>,
        %parallel_loop3A_543 = vector.shape_cast %parallel_loop3A_542 : vector<1x16xf32> to vector<16xf32>
        %parallel_loop3A_544 = vector.shape_cast %parallel_loop3A_526 : vector<16xf32> to vector<1x16xf32>
        tpu.vector_store %arg9[%parallel_loop3A_540, %parallel_loop3A_541], %parallel_loop3A_544 {add = true, strides = array<i32>} : memref<8x768xf32, #tpu.memory_space<vmem>>, vector<1x16xf32>,
        %parallel_loop3A_545 = arith.constant 5 : i32
        %parallel_loop3A_546 = arith.index_cast %parallel_loop3A_545 : i32 to index
        %parallel_loop3A_547 = arith.index_cast %parallel_loop3A_376 : i32 to index
        %parallel_loop3A_548 = tpu.vector_load %arg10[%parallel_loop3A_546, %parallel_loop3A_547] {strides = array<i32>} : memref<8x768xf32, #tpu.memory_space<vmem>>, vector<1x16xf32>,
        %parallel_loop3A_549 = vector.shape_cast %parallel_loop3A_548 : vector<1x16xf32> to vector<16xf32>
        %parallel_loop3A_550 = vector.shape_cast %parallel_loop3A_526 : vector<16xf32> to vector<1x16xf32>
        tpu.vector_store %arg10[%parallel_loop3A_546, %parallel_loop3A_547], %parallel_loop3A_550 {add = true, strides = array<i32>} : memref<8x768xf32, #tpu.memory_space<vmem>>, vector<1x16xf32>,
        %parallel_loop3A_551 = arith.constant 6 : i32
        %parallel_loop3A_552 = arith.index_cast %parallel_loop3A_551 : i32 to index
        %parallel_loop3A_553 = arith.index_cast %parallel_loop3A_376 : i32 to index
        %parallel_loop3A_554 = tpu.vector_load %arg15[%parallel_loop3A_552, %parallel_loop3A_553] {strides = array<i32>} : memref<8x768xf32, #tpu.memory_space<vmem>>, vector<1x16xf32>,
        %parallel_loop3A_555 = vector.shape_cast %parallel_loop3A_554 : vector<1x16xf32> to vector<16xf32>
        %parallel_loop3A_556 = arith.constant 6 : i32
        %parallel_loop3A_557 = arith.index_cast %parallel_loop3A_556 : i32 to index
        %parallel_loop3A_558 = arith.index_cast %parallel_loop3A_376 : i32 to index
        %parallel_loop3A_559 = tpu.vector_load %arg7[%parallel_loop3A_557, %parallel_loop3A_558] {strides = array<i32>} : memref<8x768xf32, #tpu.memory_space<vmem>>, vector<1x16xf32>,
        %parallel_loop3A_560 = vector.shape_cast %parallel_loop3A_559 : vector<1x16xf32> to vector<16xf32>
        %parallel_loop3A_561 = vector.shape_cast %parallel_loop3A_555 : vector<16xf32> to vector<1x16xf32>
        tpu.vector_store %arg7[%parallel_loop3A_557, %parallel_loop3A_558], %parallel_loop3A_561 {add = true, strides = array<i32>} : memref<8x768xf32, #tpu.memory_space<vmem>>, vector<1x16xf32>,
        %parallel_loop3A_562 = arith.constant 6 : i32
        %parallel_loop3A_563 = arith.index_cast %parallel_loop3A_562 : i32 to index
        %parallel_loop3A_564 = arith.index_cast %parallel_loop3A_376 : i32 to index
        %parallel_loop3A_565 = tpu.vector_load %arg8[%parallel_loop3A_563, %parallel_loop3A_564] {strides = array<i32>} : memref<8x768xf32, #tpu.memory_space<vmem>>, vector<1x16xf32>,
        %parallel_loop3A_566 = vector.shape_cast %parallel_loop3A_565 : vector<1x16xf32> to vector<16xf32>
        %parallel_loop3A_567 = vector.shape_cast %parallel_loop3A_555 : vector<16xf32> to vector<1x16xf32>
        tpu.vector_store %arg8[%parallel_loop3A_563, %parallel_loop3A_564], %parallel_loop3A_567 {add = true, strides = array<i32>} : memref<8x768xf32, #tpu.memory_space<vmem>>, vector<1x16xf32>,
        %parallel_loop3A_568 = arith.constant 6 : i32
        %parallel_loop3A_569 = arith.index_cast %parallel_loop3A_568 : i32 to index
        %parallel_loop3A_570 = arith.index_cast %parallel_loop3A_376 : i32 to index
        %parallel_loop3A_571 = tpu.vector_load %arg9[%parallel_loop3A_569, %parallel_loop3A_570] {strides = array<i32>} : memref<8x768xf32, #tpu.memory_space<vmem>>, vector<1x16xf32>,
        %parallel_loop3A_572 = vector.shape_cast %parallel_loop3A_571 : vector<1x16xf32> to vector<16xf32>
        %parallel_loop3A_573 = vector.shape_cast %parallel_loop3A_555 : vector<16xf32> to vector<1x16xf32>
        tpu.vector_store %arg9[%parallel_loop3A_569, %parallel_loop3A_570], %parallel_loop3A_573 {add = true, strides = array<i32>} : memref<8x768xf32, #tpu.memory_space<vmem>>, vector<1x16xf32>,
        %parallel_loop3A_574 = arith.constant 6 : i32
        %parallel_loop3A_575 = arith.index_cast %parallel_loop3A_574 : i32 to index
        %parallel_loop3A_576 = arith.index_cast %parallel_loop3A_376 : i32 to index
        %parallel_loop3A_577 = tpu.vector_load %arg10[%parallel_loop3A_575, %parallel_loop3A_576] {strides = array<i32>} : memref<8x768xf32, #tpu.memory_space<vmem>>, vector<1x16xf32>,
        %parallel_loop3A_578 = vector.shape_cast %parallel_loop3A_577 : vector<1x16xf32> to vector<16xf32>
        %parallel_loop3A_579 = vector.shape_cast %parallel_loop3A_555 : vector<16xf32> to vector<1x16xf32>
        tpu.vector_store %arg10[%parallel_loop3A_575, %parallel_loop3A_576], %parallel_loop3A_579 {add = true, strides = array<i32>} : memref<8x768xf32, #tpu.memory_space<vmem>>, vector<1x16xf32>,
        %parallel_loop3A_580 = arith.constant 7 : i32
        %parallel_loop3A_581 = arith.index_cast %parallel_loop3A_580 : i32 to index
        %parallel_loop3A_582 = arith.index_cast %parallel_loop3A_376 : i32 to index
        %parallel_loop3A_583 = tpu.vector_load %arg15[%parallel_loop3A_581, %parallel_loop3A_582] {strides = array<i32>} : memref<8x768xf32, #tpu.memory_space<vmem>>, vector<1x16xf32>,
        %parallel_loop3A_584 = vector.shape_cast %parallel_loop3A_583 : vector<1x16xf32> to vector<16xf32>
        %parallel_loop3A_585 = arith.constant 7 : i32
        %parallel_loop3A_586 = arith.index_cast %parallel_loop3A_585 : i32 to index
        %parallel_loop3A_587 = arith.index_cast %parallel_loop3A_376 : i32 to index
        %parallel_loop3A_588 = tpu.vector_load %arg7[%parallel_loop3A_586, %parallel_loop3A_587] {strides = array<i32>} : memref<8x768xf32, #tpu.memory_space<vmem>>, vector<1x16xf32>,
        %parallel_loop3A_589 = vector.shape_cast %parallel_loop3A_588 : vector<1x16xf32> to vector<16xf32>
        %parallel_loop3A_590 = vector.shape_cast %parallel_loop3A_584 : vector<16xf32> to vector<1x16xf32>
        tpu.vector_store %arg7[%parallel_loop3A_586, %parallel_loop3A_587], %parallel_loop3A_590 {add = true, strides = array<i32>} : memref<8x768xf32, #tpu.memory_space<vmem>>, vector<1x16xf32>,
        %parallel_loop3A_591 = arith.constant 7 : i32
        %parallel_loop3A_592 = arith.index_cast %parallel_loop3A_591 : i32 to index
        %parallel_loop3A_593 = arith.index_cast %parallel_loop3A_376 : i32 to index
        %parallel_loop3A_594 = tpu.vector_load %arg8[%parallel_loop3A_592, %parallel_loop3A_593] {strides = array<i32>} : memref<8x768xf32, #tpu.memory_space<vmem>>, vector<1x16xf32>,
        %parallel_loop3A_595 = vector.shape_cast %parallel_loop3A_594 : vector<1x16xf32> to vector<16xf32>
        %parallel_loop3A_596 = vector.shape_cast %parallel_loop3A_584 : vector<16xf32> to vector<1x16xf32>
        tpu.vector_store %arg8[%parallel_loop3A_592, %parallel_loop3A_593], %parallel_loop3A_596 {add = true, strides = array<i32>} : memref<8x768xf32, #tpu.memory_space<vmem>>, vector<1x16xf32>,
        %parallel_loop3A_597 = arith.constant 7 : i32
        %parallel_loop3A_598 = arith.index_cast %parallel_loop3A_597 : i32 to index
        %parallel_loop3A_599 = arith.index_cast %parallel_loop3A_376 : i32 to index
        %parallel_loop3A_600 = tpu.vector_load %arg9[%parallel_loop3A_598, %parallel_loop3A_599] {strides = array<i32>} : memref<8x768xf32, #tpu.memory_space<vmem>>, vector<1x16xf32>,
        %parallel_loop3A_601 = vector.shape_cast %parallel_loop3A_600 : vector<1x16xf32> to vector<16xf32>
        %parallel_loop3A_602 = vector.shape_cast %parallel_loop3A_584 : vector<16xf32> to vector<1x16xf32>
        tpu.vector_store %arg9[%parallel_loop3A_598, %parallel_loop3A_599], %parallel_loop3A_602 {add = true, strides = array<i32>} : memref<8x768xf32, #tpu.memory_space<vmem>>, vector<1x16xf32>,
        %parallel_loop3A_603 = arith.constant 7 : i32
        %parallel_loop3A_604 = arith.index_cast %parallel_loop3A_603 : i32 to index
        %parallel_loop3A_605 = arith.index_cast %parallel_loop3A_376 : i32 to index
        %parallel_loop3A_606 = tpu.vector_load %arg10[%parallel_loop3A_604, %parallel_loop3A_605] {strides = array<i32>} : memref<8x768xf32, #tpu.memory_space<vmem>>, vector<1x16xf32>,
        %parallel_loop3A_607 = vector.shape_cast %parallel_loop3A_606 : vector<1x16xf32> to vector<16xf32>
        %parallel_loop3A_608 = vector.shape_cast %parallel_loop3A_584 : vector<16xf32> to vector<1x16xf32>
        tpu.vector_store %arg10[%parallel_loop3A_604, %parallel_loop3A_605], %parallel_loop3A_608 {add = true, strides = array<i32>} : memref<8x768xf32, #tpu.memory_space<vmem>>, vector<1x16xf32>,
      } {sc.loop_unroll_factor = 1 : i64, sc.parallel_access}
      %add3A_251 = arith.constant 0 : i32
      %add3A_252 = arith.addi %add3A_251, %mul3A_2 : i32
      %mul3A_253 = arith.constant 8 : i32
      %mul3A_254 = arith.muli %mul3A_205, %mul3A_253 : i32
      %add3A_255 = arith.addi %add3A_252, %mul3A_254 : i32
      %add3A_256 = arith.constant 2048 : i32
      %add3A_257 = arith.addi %add3A_256, %mul3A_2 : i32
      %mul3A_258 = arith.constant 8 : i32
      %mul3A_259 = arith.muli %mul3A_205, %mul3A_258 : i32
      %add3A_260 = arith.addi %add3A_257, %mul3A_259 : i32
      %add3A_261 = arith.constant 4096 : i32
      %add3A_262 = arith.addi %add3A_261, %mul3A_2 : i32
      %mul3A_263 = arith.constant 8 : i32
      %mul3A_264 = arith.muli %mul3A_205, %mul3A_263 : i32
      %add3A_265 = arith.addi %add3A_262, %mul3A_264 : i32
      %add3A_266 = arith.constant 6144 : i32
      %add3A_267 = arith.addi %add3A_266, %mul3A_2 : i32
      %mul3A_268 = arith.constant 8 : i32
      %mul3A_269 = arith.muli %mul3A_205, %mul3A_268 : i32
      %add3A_270 = arith.addi %add3A_267, %mul3A_269 : i32
      %dma_start3A_271 = arith.constant 0 : i32
      %dma_start3A_272 = tpu.memref_slice %arg5[%add3A_255, %dma_start3A_271] : memref<8192x768xf32, #tpu.memory_space<hbm>> -> memref<8x768xf32, #tpu.memory_space<hbm>>
      %dma_start3A_273 = arith.constant 0 : i32
      %dma_start3A_274 = tpu.memref_slice %arg5[%add3A_255, %dma_start3A_273] : memref<8192x768xf32, #tpu.memory_space<hbm>> -> memref<8x768xf32, #tpu.memory_space<hbm>>
      tpu.enqueue_dma source(%arg7 : memref<8x768xf32, #tpu.memory_space<vmem>>) target(%dma_start3A_274 : memref<8x768xf32, #tpu.memory_space<hbm>>) target_semaphore(%arg19 : memref<!tpu.dma_semaphore, #tpu.memory_space<semaphore_mem>>)
      %dma_start3A_275 = arith.constant 0 : i32
      %dma_start3A_276 = tpu.memref_slice %arg5[%add3A_260, %dma_start3A_275] : memref<8192x768xf32, #tpu.memory_space<hbm>> -> memref<8x768xf32, #tpu.memory_space<hbm>>
      %dma_start3A_277 = arith.constant 0 : i32
      %dma_start3A_278 = tpu.memref_slice %arg5[%add3A_260, %dma_start3A_277] : memref<8192x768xf32, #tpu.memory_space<hbm>> -> memref<8x768xf32, #tpu.memory_space<hbm>>
      tpu.enqueue_dma source(%arg8 : memref<8x768xf32, #tpu.memory_space<vmem>>) target(%dma_start3A_278 : memref<8x768xf32, #tpu.memory_space<hbm>>) target_semaphore(%arg19 : memref<!tpu.dma_semaphore, #tpu.memory_space<semaphore_mem>>)
      %dma_start3A_279 = arith.constant 0 : i32
      %dma_start3A_280 = tpu.memref_slice %arg5[%add3A_265, %dma_start3A_279] : memref<8192x768xf32, #tpu.memory_space<hbm>> -> memref<8x768xf32, #tpu.memory_space<hbm>>
      %dma_start3A_281 = arith.constant 0 : i32
      %dma_start3A_282 = tpu.memref_slice %arg5[%add3A_265, %dma_start3A_281] : memref<8192x768xf32, #tpu.memory_space<hbm>> -> memref<8x768xf32, #tpu.memory_space<hbm>>
      tpu.enqueue_dma source(%arg9 : memref<8x768xf32, #tpu.memory_space<vmem>>) target(%dma_start3A_282 : memref<8x768xf32, #tpu.memory_space<hbm>>) target_semaphore(%arg19 : memref<!tpu.dma_semaphore, #tpu.memory_space<semaphore_mem>>)
      %dma_start3A_283 = arith.constant 0 : i32
      %dma_start3A_284 = tpu.memref_slice %arg5[%add3A_270, %dma_start3A_283] : memref<8192x768xf32, #tpu.memory_space<hbm>> -> memref<8x768xf32, #tpu.memory_space<hbm>>
      %dma_start3A_285 = arith.constant 0 : i32
      %dma_start3A_286 = tpu.memref_slice %arg5[%add3A_270, %dma_start3A_285] : memref<8192x768xf32, #tpu.memory_space<hbm>> -> memref<8x768xf32, #tpu.memory_space<hbm>>
      tpu.enqueue_dma source(%arg10 : memref<8x768xf32, #tpu.memory_space<vmem>>) target(%dma_start3A_286 : memref<8x768xf32, #tpu.memory_space<hbm>>) target_semaphore(%arg19 : memref<!tpu.dma_semaphore, #tpu.memory_space<semaphore_mem>>)
      %add3A_287 = arith.constant 1 : i32
      %add3A_288 = arith.addi %mul3A_205, %add3A_287 : i32
      %add3A_289 = arith.constant 1 : i32
      %add3A_290 = arith.addi %add3A_288, %add3A_289 : i32
      %lt3A_291 = arith.constant 8 : i32
      %lt3A_292 = arith.cmpi slt, %add3A_290, %lt3A_291 : i32
      %convert_element_type3A_293 = arith.extui %lt3A_292 : i1 to i32
      %cond3A_294 = arith.constant 0 : i32
      %cond3A_295 = arith.cmpi ne, %convert_element_type3A_293, %cond3A_294 : i32
      scf.if %cond3A_295 {
        %ge3A = arith.constant 1 : i32
        %ge3A_374 = arith.cmpi sge, %add3A_288, %ge3A : i32
        %convert_element_type3A_375 = arith.extui %ge3A_374 : i1 to i32
        %cond3A_376 = arith.constant 0 : i32
        %cond3A_377 = arith.cmpi ne, %convert_element_type3A_375, %cond3A_376 : i32
        scf.if %cond3A_377 {
          %sub3A = arith.constant 1 : i32
          %sub3A_419 = arith.subi %add3A_288, %sub3A : i32
          %add3A_420 = arith.constant 0 : i32
          %add3A_421 = arith.addi %add3A_420, %mul3A_2 : i32
          %mul3A_422 = arith.constant 8 : i32
          %mul3A_423 = arith.muli %sub3A_419, %mul3A_422 : i32
          %add3A_424 = arith.addi %add3A_421, %mul3A_423 : i32
          %add3A_425 = arith.constant 2048 : i32
          %add3A_426 = arith.addi %add3A_425, %mul3A_2 : i32
          %mul3A_427 = arith.constant 8 : i32
          %mul3A_428 = arith.muli %sub3A_419, %mul3A_427 : i32
          %add3A_429 = arith.addi %add3A_426, %mul3A_428 : i32
          %add3A_430 = arith.constant 4096 : i32
          %add3A_431 = arith.addi %add3A_430, %mul3A_2 : i32
          %mul3A_432 = arith.constant 8 : i32
          %mul3A_433 = arith.muli %sub3A_419, %mul3A_432 : i32
          %add3A_434 = arith.addi %add3A_431, %mul3A_433 : i32
          %add3A_435 = arith.constant 6144 : i32
          %add3A_436 = arith.addi %add3A_435, %mul3A_2 : i32
          %mul3A_437 = arith.constant 8 : i32
          %mul3A_438 = arith.muli %sub3A_419, %mul3A_437 : i32
          %add3A_439 = arith.addi %add3A_436, %mul3A_438 : i32
          %dma_wait3A_440 = arith.constant 0 : i32
          %dma_wait3A_441 = tpu.memref_slice %arg5[%add3A_424, %dma_wait3A_440] : memref<8192x768xf32, #tpu.memory_space<hbm>> -> memref<8x768xf32, #tpu.memory_space<hbm>>
          %dma_wait3A_442 = arith.constant 0 : i32
          %dma_wait3A_443 = tpu.memref_slice %arg5[%add3A_424, %dma_wait3A_442] : memref<8192x768xf32, #tpu.memory_space<hbm>> -> memref<8x768xf32, #tpu.memory_space<hbm>>
          tpu.wait_dma2 semaphore(%arg19 : memref<!tpu.dma_semaphore, #tpu.memory_space<semaphore_mem>>) src(%arg7 : memref<8x768xf32, #tpu.memory_space<vmem>>) dst(%dma_wait3A_443 : memref<8x768xf32, #tpu.memory_space<hbm>>)
          %dma_wait3A_444 = arith.constant 0 : i32
          %dma_wait3A_445 = tpu.memref_slice %arg5[%add3A_429, %dma_wait3A_444] : memref<8192x768xf32, #tpu.memory_space<hbm>> -> memref<8x768xf32, #tpu.memory_space<hbm>>
          %dma_wait3A_446 = arith.constant 0 : i32
          %dma_wait3A_447 = tpu.memref_slice %arg5[%add3A_429, %dma_wait3A_446] : memref<8192x768xf32, #tpu.memory_space<hbm>> -> memref<8x768xf32, #tpu.memory_space<hbm>>
          tpu.wait_dma2 semaphore(%arg19 : memref<!tpu.dma_semaphore, #tpu.memory_space<semaphore_mem>>) src(%arg8 : memref<8x768xf32, #tpu.memory_space<vmem>>) dst(%dma_wait3A_447 : memref<8x768xf32, #tpu.memory_space<hbm>>)
          %dma_wait3A_448 = arith.constant 0 : i32
          %dma_wait3A_449 = tpu.memref_slice %arg5[%add3A_434, %dma_wait3A_448] : memref<8192x768xf32, #tpu.memory_space<hbm>> -> memref<8x768xf32, #tpu.memory_space<hbm>>
          %dma_wait3A_450 = arith.constant 0 : i32
          %dma_wait3A_451 = tpu.memref_slice %arg5[%add3A_434, %dma_wait3A_450] : memref<8192x768xf32, #tpu.memory_space<hbm>> -> memref<8x768xf32, #tpu.memory_space<hbm>>
          tpu.wait_dma2 semaphore(%arg19 : memref<!tpu.dma_semaphore, #tpu.memory_space<semaphore_mem>>) src(%arg9 : memref<8x768xf32, #tpu.memory_space<vmem>>) dst(%dma_wait3A_451 : memref<8x768xf32, #tpu.memory_space<hbm>>)
          %dma_wait3A_452 = arith.constant 0 : i32
          %dma_wait3A_453 = tpu.memref_slice %arg5[%add3A_439, %dma_wait3A_452] : memref<8192x768xf32, #tpu.memory_space<hbm>> -> memref<8x768xf32, #tpu.memory_space<hbm>>
          %dma_wait3A_454 = arith.constant 0 : i32
          %dma_wait3A_455 = tpu.memref_slice %arg5[%add3A_439, %dma_wait3A_454] : memref<8192x768xf32, #tpu.memory_space<hbm>> -> memref<8x768xf32, #tpu.memory_space<hbm>>
          tpu.wait_dma2 semaphore(%arg19 : memref<!tpu.dma_semaphore, #tpu.memory_space<semaphore_mem>>) src(%arg10 : memref<8x768xf32, #tpu.memory_space<vmem>>) dst(%dma_wait3A_455 : memref<8x768xf32, #tpu.memory_space<hbm>>)
        } else {
        }
        %add3A_378 = arith.constant 1 : i32
        %add3A_379 = arith.addi %add3A_288, %add3A_378 : i32
        %mul3A_380 = arith.constant 8 : i32
        %mul3A_381 = arith.muli %add3A_379, %mul3A_380 : i32
        %mul3A_382 = arith.constant 8 : i32
        %mul3A_383 = arith.muli %add3A_379, %mul3A_382 : i32
        %mul3A_384 = arith.constant 8 : i32
        %mul3A_385 = arith.muli %add3A_379, %mul3A_384 : i32
        %mul3A_386 = arith.constant 8 : i32
        %mul3A_387 = arith.muli %add3A_379, %mul3A_386 : i32
        %mul3A_388 = arith.constant 8 : i32
        %mul3A_389 = arith.muli %add3A_379, %mul3A_388 : i32
        %add3A_390 = arith.addi %mul3A_2, %mul3A_389 : i32
        %dma_start3A_391 = arith.constant 0 : i32
        %dma_start3A_392 = tpu.memref_slice %arg6[%dma_start3A_391, %mul3A_381] : memref<4x64xi32, #tpu.memory_space<vmem>> -> memref<1x8xi32, #tpu.memory_space<vmem>>
        %dma_start3A_393 = tpu.memref_squeeze %dma_start3A_392 : memref<1x8xi32, #tpu.memory_space<vmem>> -> memref<8xi32, #tpu.memory_space<vmem>>
        %dma_start3A_394 = arith.constant 0 : i32
        %dma_start3A_395 = arith.constant 0 : i32
        %dma_start3A_396 = tpu.memref_slice %arg3[%dma_start3A_394, %dma_start3A_395] : memref<100000x768xf32, #tpu.memory_space<hbm>> -> memref<100000x768xf32, #tpu.memory_space<hbm>>
        tpu.enqueue_indirect_dma source(%dma_start3A_396 : memref<100000x768xf32, #tpu.memory_space<hbm>>) target(%arg7 : memref<8x768xf32, #tpu.memory_space<vmem>>) offsets(%dma_start3A_393 : memref<8xi32, #tpu.memory_space<vmem>>) semaphore(%arg17 : memref<!tpu.dma_semaphore, #tpu.memory_space<semaphore_mem>>)
        %dma_start3A_397 = arith.constant 1 : i32
        %dma_start3A_398 = tpu.memref_slice %arg6[%dma_start3A_397, %mul3A_383] : memref<4x64xi32, #tpu.memory_space<vmem>> -> memref<1x8xi32, #tpu.memory_space<vmem>>
        %dma_start3A_399 = tpu.memref_squeeze %dma_start3A_398 : memref<1x8xi32, #tpu.memory_space<vmem>> -> memref<8xi32, #tpu.memory_space<vmem>>
        %dma_start3A_400 = arith.constant 0 : i32
        %dma_start3A_401 = arith.constant 0 : i32
        %dma_start3A_402 = tpu.memref_slice %arg3[%dma_start3A_400, %dma_start3A_401] : memref<100000x768xf32, #tpu.memory_space<hbm>> -> memref<100000x768xf32, #tpu.memory_space<hbm>>
        tpu.enqueue_indirect_dma source(%dma_start3A_402 : memref<100000x768xf32, #tpu.memory_space<hbm>>) target(%arg8 : memref<8x768xf32, #tpu.memory_space<vmem>>) offsets(%dma_start3A_399 : memref<8xi32, #tpu.memory_space<vmem>>) semaphore(%arg17 : memref<!tpu.dma_semaphore, #tpu.memory_space<semaphore_mem>>)
        %dma_start3A_403 = arith.constant 2 : i32
        %dma_start3A_404 = tpu.memref_slice %arg6[%dma_start3A_403, %mul3A_385] : memref<4x64xi32, #tpu.memory_space<vmem>> -> memref<1x8xi32, #tpu.memory_space<vmem>>
        %dma_start3A_405 = tpu.memref_squeeze %dma_start3A_404 : memref<1x8xi32, #tpu.memory_space<vmem>> -> memref<8xi32, #tpu.memory_space<vmem>>
        %dma_start3A_406 = arith.constant 0 : i32
        %dma_start3A_407 = arith.constant 0 : i32
        %dma_start3A_408 = tpu.memref_slice %arg3[%dma_start3A_406, %dma_start3A_407] : memref<100000x768xf32, #tpu.memory_space<hbm>> -> memref<100000x768xf32, #tpu.memory_space<hbm>>
        tpu.enqueue_indirect_dma source(%dma_start3A_408 : memref<100000x768xf32, #tpu.memory_space<hbm>>) target(%arg9 : memref<8x768xf32, #tpu.memory_space<vmem>>) offsets(%dma_start3A_405 : memref<8xi32, #tpu.memory_space<vmem>>) semaphore(%arg17 : memref<!tpu.dma_semaphore, #tpu.memory_space<semaphore_mem>>)
        %dma_start3A_409 = arith.constant 3 : i32
        %dma_start3A_410 = tpu.memref_slice %arg6[%dma_start3A_409, %mul3A_387] : memref<4x64xi32, #tpu.memory_space<vmem>> -> memref<1x8xi32, #tpu.memory_space<vmem>>
        %dma_start3A_411 = tpu.memref_squeeze %dma_start3A_410 : memref<1x8xi32, #tpu.memory_space<vmem>> -> memref<8xi32, #tpu.memory_space<vmem>>
        %dma_start3A_412 = arith.constant 0 : i32
        %dma_start3A_413 = arith.constant 0 : i32
        %dma_start3A_414 = tpu.memref_slice %arg3[%dma_start3A_412, %dma_start3A_413] : memref<100000x768xf32, #tpu.memory_space<hbm>> -> memref<100000x768xf32, #tpu.memory_space<hbm>>
        tpu.enqueue_indirect_dma source(%dma_start3A_414 : memref<100000x768xf32, #tpu.memory_space<hbm>>) target(%arg10 : memref<8x768xf32, #tpu.memory_space<vmem>>) offsets(%dma_start3A_411 : memref<8xi32, #tpu.memory_space<vmem>>) semaphore(%arg17 : memref<!tpu.dma_semaphore, #tpu.memory_space<semaphore_mem>>)
        %dma_start3A_415 = arith.constant 0 : i32
        %dma_start3A_416 = tpu.memref_slice %arg4[%add3A_390, %dma_start3A_415] : memref<2048x768xf32, #tpu.memory_space<hbm>> -> memref<8x768xf32, #tpu.memory_space<hbm>>
        %dma_start3A_417 = arith.constant 0 : i32
        %dma_start3A_418 = tpu.memref_slice %arg4[%add3A_390, %dma_start3A_417] : memref<2048x768xf32, #tpu.memory_space<hbm>> -> memref<8x768xf32, #tpu.memory_space<hbm>>
        tpu.enqueue_dma source(%dma_start3A_418 : memref<8x768xf32, #tpu.memory_space<hbm>>) target(%arg15 : memref<8x768xf32, #tpu.memory_space<vmem>>) target_semaphore(%arg17 : memref<!tpu.dma_semaphore, #tpu.memory_space<semaphore_mem>>)
      } else {
      }
      %mul3A_296 = arith.constant 8 : i32
      %mul3A_297 = arith.muli %add3A_288, %mul3A_296 : i32
      %mul3A_298 = arith.constant 8 : i32
      %mul3A_299 = arith.muli %add3A_288, %mul3A_298 : i32
      %mul3A_300 = arith.constant 8 : i32
      %mul3A_301 = arith.muli %add3A_288, %mul3A_300 : i32
      %mul3A_302 = arith.constant 8 : i32
      %mul3A_303 = arith.muli %add3A_288, %mul3A_302 : i32
      %mul3A_304 = arith.constant 8 : i32
      %mul3A_305 = arith.muli %add3A_288, %mul3A_304 : i32
      %add3A_306 = arith.addi %mul3A_2, %mul3A_305 : i32
      %dma_wait3A_307 = arith.constant 0 : i32
      %dma_wait3A_308 = tpu.memref_slice %arg6[%dma_wait3A_307, %mul3A_297] : memref<4x64xi32, #tpu.memory_space<vmem>> -> memref<1x8xi32, #tpu.memory_space<vmem>>
      %dma_wait3A_309 = tpu.memref_squeeze %dma_wait3A_308 : memref<1x8xi32, #tpu.memory_space<vmem>> -> memref<8xi32, #tpu.memory_space<vmem>>
      %dma_wait3A_310 = arith.constant 0 : i32
      %dma_wait3A_311 = arith.constant 0 : i32
      %dma_wait3A_312 = tpu.memref_slice %arg3[%dma_wait3A_310, %dma_wait3A_311] : memref<100000x768xf32, #tpu.memory_space<hbm>> -> memref<100000x768xf32, #tpu.memory_space<hbm>>
      tpu.wait_indirect_dma semaphore(%arg18 : memref<!tpu.dma_semaphore, #tpu.memory_space<semaphore_mem>>) src(%dma_wait3A_312 : memref<100000x768xf32, #tpu.memory_space<hbm>>) dst(%arg11 : memref<8x768xf32, #tpu.memory_space<vmem>>)
      %dma_wait3A_313 = arith.constant 1 : i32
      %dma_wait3A_314 = tpu.memref_slice %arg6[%dma_wait3A_313, %mul3A_299] : memref<4x64xi32, #tpu.memory_space<vmem>> -> memref<1x8xi32, #tpu.memory_space<vmem>>
      %dma_wait3A_315 = tpu.memref_squeeze %dma_wait3A_314 : memref<1x8xi32, #tpu.memory_space<vmem>> -> memref<8xi32, #tpu.memory_space<vmem>>
      %dma_wait3A_316 = arith.constant 0 : i32
      %dma_wait3A_317 = arith.constant 0 : i32
      %dma_wait3A_318 = tpu.memref_slice %arg3[%dma_wait3A_316, %dma_wait3A_317] : memref<100000x768xf32, #tpu.memory_space<hbm>> -> memref<100000x768xf32, #tpu.memory_space<hbm>>
      tpu.wait_indirect_dma semaphore(%arg18 : memref<!tpu.dma_semaphore, #tpu.memory_space<semaphore_mem>>) src(%dma_wait3A_318 : memref<100000x768xf32, #tpu.memory_space<hbm>>) dst(%arg12 : memref<8x768xf32, #tpu.memory_space<vmem>>)
      %dma_wait3A_319 = arith.constant 2 : i32
      %dma_wait3A_320 = tpu.memref_slice %arg6[%dma_wait3A_319, %mul3A_301] : memref<4x64xi32, #tpu.memory_space<vmem>> -> memref<1x8xi32, #tpu.memory_space<vmem>>
      %dma_wait3A_321 = tpu.memref_squeeze %dma_wait3A_320 : memref<1x8xi32, #tpu.memory_space<vmem>> -> memref<8xi32, #tpu.memory_space<vmem>>
      %dma_wait3A_322 = arith.constant 0 : i32
      %dma_wait3A_323 = arith.constant 0 : i32
      %dma_wait3A_324 = tpu.memref_slice %arg3[%dma_wait3A_322, %dma_wait3A_323] : memref<100000x768xf32, #tpu.memory_space<hbm>> -> memref<100000x768xf32, #tpu.memory_space<hbm>>
      tpu.wait_indirect_dma semaphore(%arg18 : memref<!tpu.dma_semaphore, #tpu.memory_space<semaphore_mem>>) src(%dma_wait3A_324 : memref<100000x768xf32, #tpu.memory_space<hbm>>) dst(%arg13 : memref<8x768xf32, #tpu.memory_space<vmem>>)
      %dma_wait3A_325 = arith.constant 3 : i32
      %dma_wait3A_326 = tpu.memref_slice %arg6[%dma_wait3A_325, %mul3A_303] : memref<4x64xi32, #tpu.memory_space<vmem>> -> memref<1x8xi32, #tpu.memory_space<vmem>>
      %dma_wait3A_327 = tpu.memref_squeeze %dma_wait3A_326 : memref<1x8xi32, #tpu.memory_space<vmem>> -> memref<8xi32, #tpu.memory_space<vmem>>
      %dma_wait3A_328 = arith.constant 0 : i32
      %dma_wait3A_329 = arith.constant 0 : i32
      %dma_wait3A_330 = tpu.memref_slice %arg3[%dma_wait3A_328, %dma_wait3A_329] : memref<100000x768xf32, #tpu.memory_space<hbm>> -> memref<100000x768xf32, #tpu.memory_space<hbm>>
      tpu.wait_indirect_dma semaphore(%arg18 : memref<!tpu.dma_semaphore, #tpu.memory_space<semaphore_mem>>) src(%dma_wait3A_330 : memref<100000x768xf32, #tpu.memory_space<hbm>>) dst(%arg14 : memref<8x768xf32, #tpu.memory_space<vmem>>)
      %dma_wait3A_331 = arith.constant 0 : i32
      %dma_wait3A_332 = tpu.memref_slice %arg4[%add3A_306, %dma_wait3A_331] : memref<2048x768xf32, #tpu.memory_space<hbm>> -> memref<8x768xf32, #tpu.memory_space<hbm>>
      %dma_wait3A_333 = arith.constant 0 : i32
      %dma_wait3A_334 = tpu.memref_slice %arg4[%add3A_306, %dma_wait3A_333] : memref<2048x768xf32, #tpu.memory_space<hbm>> -> memref<8x768xf32, #tpu.memory_space<hbm>>
      tpu.wait_dma2 semaphore(%arg18 : memref<!tpu.dma_semaphore, #tpu.memory_space<semaphore_mem>>) src(%dma_wait3A_334 : memref<8x768xf32, #tpu.memory_space<hbm>>) dst(%arg16 : memref<8x768xf32, #tpu.memory_space<vmem>>)
      %parallel_loop3A_335 = arith.constant 0 : i32
      %parallel_loop3A_336 = arith.constant 48 : i32
      %parallel_loop3A_337 = arith.constant 1 : i32
      scf.for %parallel_loop3A_374 = %parallel_loop3A_335 to %parallel_loop3A_336 step %parallel_loop3A_337  : i32 {
        %parallel_loop3A_375 = arith.constant 16 : i32
        %parallel_loop3A_376 = arith.muli %parallel_loop3A_374, %parallel_loop3A_375 : i32
        %parallel_loop3A_377 = arith.constant 0 : i32
        %parallel_loop3A_378 = arith.index_cast %parallel_loop3A_377 : i32 to index
        %parallel_loop3A_379 = arith.index_cast %parallel_loop3A_376 : i32 to index
        %parallel_loop3A_380 = tpu.vector_load %arg16[%parallel_loop3A_378, %parallel_loop3A_379] {strides = array<i32>} : memref<8x768xf32, #tpu.memory_space<vmem>>, vector<1x16xf32>,
        %parallel_loop3A_381 = vector.shape_cast %parallel_loop3A_380 : vector<1x16xf32> to vector<16xf32>
        %parallel_loop3A_382 = arith.constant 0 : i32
        %parallel_loop3A_383 = arith.index_cast %parallel_loop3A_382 : i32 to index
        %parallel_loop3A_384 = arith.index_cast %parallel_loop3A_376 : i32 to index
        %parallel_loop3A_385 = tpu.vector_load %arg11[%parallel_loop3A_383, %parallel_loop3A_384] {strides = array<i32>} : memref<8x768xf32, #tpu.memory_space<vmem>>, vector<1x16xf32>,
        %parallel_loop3A_386 = vector.shape_cast %parallel_loop3A_385 : vector<1x16xf32> to vector<16xf32>
        %parallel_loop3A_387 = vector.shape_cast %parallel_loop3A_381 : vector<16xf32> to vector<1x16xf32>
        tpu.vector_store %arg11[%parallel_loop3A_383, %parallel_loop3A_384], %parallel_loop3A_387 {add = true, strides = array<i32>} : memref<8x768xf32, #tpu.memory_space<vmem>>, vector<1x16xf32>,
        %parallel_loop3A_388 = arith.constant 0 : i32
        %parallel_loop3A_389 = arith.index_cast %parallel_loop3A_388 : i32 to index
        %parallel_loop3A_390 = arith.index_cast %parallel_loop3A_376 : i32 to index
        %parallel_loop3A_391 = tpu.vector_load %arg12[%parallel_loop3A_389, %parallel_loop3A_390] {strides = array<i32>} : memref<8x768xf32, #tpu.memory_space<vmem>>, vector<1x16xf32>,
        %parallel_loop3A_392 = vector.shape_cast %parallel_loop3A_391 : vector<1x16xf32> to vector<16xf32>
        %parallel_loop3A_393 = vector.shape_cast %parallel_loop3A_381 : vector<16xf32> to vector<1x16xf32>
        tpu.vector_store %arg12[%parallel_loop3A_389, %parallel_loop3A_390], %parallel_loop3A_393 {add = true, strides = array<i32>} : memref<8x768xf32, #tpu.memory_space<vmem>>, vector<1x16xf32>,
        %parallel_loop3A_394 = arith.constant 0 : i32
        %parallel_loop3A_395 = arith.index_cast %parallel_loop3A_394 : i32 to index
        %parallel_loop3A_396 = arith.index_cast %parallel_loop3A_376 : i32 to index
        %parallel_loop3A_397 = tpu.vector_load %arg13[%parallel_loop3A_395, %parallel_loop3A_396] {strides = array<i32>} : memref<8x768xf32, #tpu.memory_space<vmem>>, vector<1x16xf32>,
        %parallel_loop3A_398 = vector.shape_cast %parallel_loop3A_397 : vector<1x16xf32> to vector<16xf32>
        %parallel_loop3A_399 = vector.shape_cast %parallel_loop3A_381 : vector<16xf32> to vector<1x16xf32>
        tpu.vector_store %arg13[%parallel_loop3A_395, %parallel_loop3A_396], %parallel_loop3A_399 {add = true, strides = array<i32>} : memref<8x768xf32, #tpu.memory_space<vmem>>, vector<1x16xf32>,
        %parallel_loop3A_400 = arith.constant 0 : i32
        %parallel_loop3A_401 = arith.index_cast %parallel_loop3A_400 : i32 to index
        %parallel_loop3A_402 = arith.index_cast %parallel_loop3A_376 : i32 to index
        %parallel_loop3A_403 = tpu.vector_load %arg14[%parallel_loop3A_401, %parallel_loop3A_402] {strides = array<i32>} : memref<8x768xf32, #tpu.memory_space<vmem>>, vector<1x16xf32>,
        %parallel_loop3A_404 = vector.shape_cast %parallel_loop3A_403 : vector<1x16xf32> to vector<16xf32>
        %parallel_loop3A_405 = vector.shape_cast %parallel_loop3A_381 : vector<16xf32> to vector<1x16xf32>
        tpu.vector_store %arg14[%parallel_loop3A_401, %parallel_loop3A_402], %parallel_loop3A_405 {add = true, strides = array<i32>} : memref<8x768xf32, #tpu.memory_space<vmem>>, vector<1x16xf32>,
        %parallel_loop3A_406 = arith.constant 1 : i32
        %parallel_loop3A_407 = arith.index_cast %parallel_loop3A_406 : i32 to index
        %parallel_loop3A_408 = arith.index_cast %parallel_loop3A_376 : i32 to index
        %parallel_loop3A_409 = tpu.vector_load %arg16[%parallel_loop3A_407, %parallel_loop3A_408] {strides = array<i32>} : memref<8x768xf32, #tpu.memory_space<vmem>>, vector<1x16xf32>,
        %parallel_loop3A_410 = vector.shape_cast %parallel_loop3A_409 : vector<1x16xf32> to vector<16xf32>
        %parallel_loop3A_411 = arith.constant 1 : i32
        %parallel_loop3A_412 = arith.index_cast %parallel_loop3A_411 : i32 to index
        %parallel_loop3A_413 = arith.index_cast %parallel_loop3A_376 : i32 to index
        %parallel_loop3A_414 = tpu.vector_load %arg11[%parallel_loop3A_412, %parallel_loop3A_413] {strides = array<i32>} : memref<8x768xf32, #tpu.memory_space<vmem>>, vector<1x16xf32>,
        %parallel_loop3A_415 = vector.shape_cast %parallel_loop3A_414 : vector<1x16xf32> to vector<16xf32>
        %parallel_loop3A_416 = vector.shape_cast %parallel_loop3A_410 : vector<16xf32> to vector<1x16xf32>
        tpu.vector_store %arg11[%parallel_loop3A_412, %parallel_loop3A_413], %parallel_loop3A_416 {add = true, strides = array<i32>} : memref<8x768xf32, #tpu.memory_space<vmem>>, vector<1x16xf32>,
        %parallel_loop3A_417 = arith.constant 1 : i32
        %parallel_loop3A_418 = arith.index_cast %parallel_loop3A_417 : i32 to index
        %parallel_loop3A_419 = arith.index_cast %parallel_loop3A_376 : i32 to index
        %parallel_loop3A_420 = tpu.vector_load %arg12[%parallel_loop3A_418, %parallel_loop3A_419] {strides = array<i32>} : memref<8x768xf32, #tpu.memory_space<vmem>>, vector<1x16xf32>,
        %parallel_loop3A_421 = vector.shape_cast %parallel_loop3A_420 : vector<1x16xf32> to vector<16xf32>
        %parallel_loop3A_422 = vector.shape_cast %parallel_loop3A_410 : vector<16xf32> to vector<1x16xf32>
        tpu.vector_store %arg12[%parallel_loop3A_418, %parallel_loop3A_419], %parallel_loop3A_422 {add = true, strides = array<i32>} : memref<8x768xf32, #tpu.memory_space<vmem>>, vector<1x16xf32>,
        %parallel_loop3A_423 = arith.constant 1 : i32
        %parallel_loop3A_424 = arith.index_cast %parallel_loop3A_423 : i32 to index
        %parallel_loop3A_425 = arith.index_cast %parallel_loop3A_376 : i32 to index
        %parallel_loop3A_426 = tpu.vector_load %arg13[%parallel_loop3A_424, %parallel_loop3A_425] {strides = array<i32>} : memref<8x768xf32, #tpu.memory_space<vmem>>, vector<1x16xf32>,
        %parallel_loop3A_427 = vector.shape_cast %parallel_loop3A_426 : vector<1x16xf32> to vector<16xf32>
        %parallel_loop3A_428 = vector.shape_cast %parallel_loop3A_410 : vector<16xf32> to vector<1x16xf32>
        tpu.vector_store %arg13[%parallel_loop3A_424, %parallel_loop3A_425], %parallel_loop3A_428 {add = true, strides = array<i32>} : memref<8x768xf32, #tpu.memory_space<vmem>>, vector<1x16xf32>,
        %parallel_loop3A_429 = arith.constant 1 : i32
        %parallel_loop3A_430 = arith.index_cast %parallel_loop3A_429 : i32 to index
        %parallel_loop3A_431 = arith.index_cast %parallel_loop3A_376 : i32 to index
        %parallel_loop3A_432 = tpu.vector_load %arg14[%parallel_loop3A_430, %parallel_loop3A_431] {strides = array<i32>} : memref<8x768xf32, #tpu.memory_space<vmem>>, vector<1x16xf32>,
        %parallel_loop3A_433 = vector.shape_cast %parallel_loop3A_432 : vector<1x16xf32> to vector<16xf32>
        %parallel_loop3A_434 = vector.shape_cast %parallel_loop3A_410 : vector<16xf32> to vector<1x16xf32>
        tpu.vector_store %arg14[%parallel_loop3A_430, %parallel_loop3A_431], %parallel_loop3A_434 {add = true, strides = array<i32>} : memref<8x768xf32, #tpu.memory_space<vmem>>, vector<1x16xf32>,
        %parallel_loop3A_435 = arith.constant 2 : i32
        %parallel_loop3A_436 = arith.index_cast %parallel_loop3A_435 : i32 to index
        %parallel_loop3A_437 = arith.index_cast %parallel_loop3A_376 : i32 to index
        %parallel_loop3A_438 = tpu.vector_load %arg16[%parallel_loop3A_436, %parallel_loop3A_437] {strides = array<i32>} : memref<8x768xf32, #tpu.memory_space<vmem>>, vector<1x16xf32>,
        %parallel_loop3A_439 = vector.shape_cast %parallel_loop3A_438 : vector<1x16xf32> to vector<16xf32>
        %parallel_loop3A_440 = arith.constant 2 : i32
        %parallel_loop3A_441 = arith.index_cast %parallel_loop3A_440 : i32 to index
        %parallel_loop3A_442 = arith.index_cast %parallel_loop3A_376 : i32 to index
        %parallel_loop3A_443 = tpu.vector_load %arg11[%parallel_loop3A_441, %parallel_loop3A_442] {strides = array<i32>} : memref<8x768xf32, #tpu.memory_space<vmem>>, vector<1x16xf32>,
        %parallel_loop3A_444 = vector.shape_cast %parallel_loop3A_443 : vector<1x16xf32> to vector<16xf32>
        %parallel_loop3A_445 = vector.shape_cast %parallel_loop3A_439 : vector<16xf32> to vector<1x16xf32>
        tpu.vector_store %arg11[%parallel_loop3A_441, %parallel_loop3A_442], %parallel_loop3A_445 {add = true, strides = array<i32>} : memref<8x768xf32, #tpu.memory_space<vmem>>, vector<1x16xf32>,
        %parallel_loop3A_446 = arith.constant 2 : i32
        %parallel_loop3A_447 = arith.index_cast %parallel_loop3A_446 : i32 to index
        %parallel_loop3A_448 = arith.index_cast %parallel_loop3A_376 : i32 to index
        %parallel_loop3A_449 = tpu.vector_load %arg12[%parallel_loop3A_447, %parallel_loop3A_448] {strides = array<i32>} : memref<8x768xf32, #tpu.memory_space<vmem>>, vector<1x16xf32>,
        %parallel_loop3A_450 = vector.shape_cast %parallel_loop3A_449 : vector<1x16xf32> to vector<16xf32>
        %parallel_loop3A_451 = vector.shape_cast %parallel_loop3A_439 : vector<16xf32> to vector<1x16xf32>
        tpu.vector_store %arg12[%parallel_loop3A_447, %parallel_loop3A_448], %parallel_loop3A_451 {add = true, strides = array<i32>} : memref<8x768xf32, #tpu.memory_space<vmem>>, vector<1x16xf32>,
        %parallel_loop3A_452 = arith.constant 2 : i32
        %parallel_loop3A_453 = arith.index_cast %parallel_loop3A_452 : i32 to index
        %parallel_loop3A_454 = arith.index_cast %parallel_loop3A_376 : i32 to index
        %parallel_loop3A_455 = tpu.vector_load %arg13[%parallel_loop3A_453, %parallel_loop3A_454] {strides = array<i32>} : memref<8x768xf32, #tpu.memory_space<vmem>>, vector<1x16xf32>,
        %parallel_loop3A_456 = vector.shape_cast %parallel_loop3A_455 : vector<1x16xf32> to vector<16xf32>
        %parallel_loop3A_457 = vector.shape_cast %parallel_loop3A_439 : vector<16xf32> to vector<1x16xf32>
        tpu.vector_store %arg13[%parallel_loop3A_453, %parallel_loop3A_454], %parallel_loop3A_457 {add = true, strides = array<i32>} : memref<8x768xf32, #tpu.memory_space<vmem>>, vector<1x16xf32>,
        %parallel_loop3A_458 = arith.constant 2 : i32
        %parallel_loop3A_459 = arith.index_cast %parallel_loop3A_458 : i32 to index
        %parallel_loop3A_460 = arith.index_cast %parallel_loop3A_376 : i32 to index
        %parallel_loop3A_461 = tpu.vector_load %arg14[%parallel_loop3A_459, %parallel_loop3A_460] {strides = array<i32>} : memref<8x768xf32, #tpu.memory_space<vmem>>, vector<1x16xf32>,
        %parallel_loop3A_462 = vector.shape_cast %parallel_loop3A_461 : vector<1x16xf32> to vector<16xf32>
        %parallel_loop3A_463 = vector.shape_cast %parallel_loop3A_439 : vector<16xf32> to vector<1x16xf32>
        tpu.vector_store %arg14[%parallel_loop3A_459, %parallel_loop3A_460], %parallel_loop3A_463 {add = true, strides = array<i32>} : memref<8x768xf32, #tpu.memory_space<vmem>>, vector<1x16xf32>,
        %parallel_loop3A_464 = arith.constant 3 : i32
        %parallel_loop3A_465 = arith.index_cast %parallel_loop3A_464 : i32 to index
        %parallel_loop3A_466 = arith.index_cast %parallel_loop3A_376 : i32 to index
        %parallel_loop3A_467 = tpu.vector_load %arg16[%parallel_loop3A_465, %parallel_loop3A_466] {strides = array<i32>} : memref<8x768xf32, #tpu.memory_space<vmem>>, vector<1x16xf32>,
        %parallel_loop3A_468 = vector.shape_cast %parallel_loop3A_467 : vector<1x16xf32> to vector<16xf32>
        %parallel_loop3A_469 = arith.constant 3 : i32
        %parallel_loop3A_470 = arith.index_cast %parallel_loop3A_469 : i32 to index
        %parallel_loop3A_471 = arith.index_cast %parallel_loop3A_376 : i32 to index
        %parallel_loop3A_472 = tpu.vector_load %arg11[%parallel_loop3A_470, %parallel_loop3A_471] {strides = array<i32>} : memref<8x768xf32, #tpu.memory_space<vmem>>, vector<1x16xf32>,
        %parallel_loop3A_473 = vector.shape_cast %parallel_loop3A_472 : vector<1x16xf32> to vector<16xf32>
        %parallel_loop3A_474 = vector.shape_cast %parallel_loop3A_468 : vector<16xf32> to vector<1x16xf32>
        tpu.vector_store %arg11[%parallel_loop3A_470, %parallel_loop3A_471], %parallel_loop3A_474 {add = true, strides = array<i32>} : memref<8x768xf32, #tpu.memory_space<vmem>>, vector<1x16xf32>,
        %parallel_loop3A_475 = arith.constant 3 : i32
        %parallel_loop3A_476 = arith.index_cast %parallel_loop3A_475 : i32 to index
        %parallel_loop3A_477 = arith.index_cast %parallel_loop3A_376 : i32 to index
        %parallel_loop3A_478 = tpu.vector_load %arg12[%parallel_loop3A_476, %parallel_loop3A_477] {strides = array<i32>} : memref<8x768xf32, #tpu.memory_space<vmem>>, vector<1x16xf32>,
        %parallel_loop3A_479 = vector.shape_cast %parallel_loop3A_478 : vector<1x16xf32> to vector<16xf32>
        %parallel_loop3A_480 = vector.shape_cast %parallel_loop3A_468 : vector<16xf32> to vector<1x16xf32>
        tpu.vector_store %arg12[%parallel_loop3A_476, %parallel_loop3A_477], %parallel_loop3A_480 {add = true, strides = array<i32>} : memref<8x768xf32, #tpu.memory_space<vmem>>, vector<1x16xf32>,
        %parallel_loop3A_481 = arith.constant 3 : i32
        %parallel_loop3A_482 = arith.index_cast %parallel_loop3A_481 : i32 to index
        %parallel_loop3A_483 = arith.index_cast %parallel_loop3A_376 : i32 to index
        %parallel_loop3A_484 = tpu.vector_load %arg13[%parallel_loop3A_482, %parallel_loop3A_483] {strides = array<i32>} : memref<8x768xf32, #tpu.memory_space<vmem>>, vector<1x16xf32>,
        %parallel_loop3A_485 = vector.shape_cast %parallel_loop3A_484 : vector<1x16xf32> to vector<16xf32>
        %parallel_loop3A_486 = vector.shape_cast %parallel_loop3A_468 : vector<16xf32> to vector<1x16xf32>
        tpu.vector_store %arg13[%parallel_loop3A_482, %parallel_loop3A_483], %parallel_loop3A_486 {add = true, strides = array<i32>} : memref<8x768xf32, #tpu.memory_space<vmem>>, vector<1x16xf32>,
        %parallel_loop3A_487 = arith.constant 3 : i32
        %parallel_loop3A_488 = arith.index_cast %parallel_loop3A_487 : i32 to index
        %parallel_loop3A_489 = arith.index_cast %parallel_loop3A_376 : i32 to index
        %parallel_loop3A_490 = tpu.vector_load %arg14[%parallel_loop3A_488, %parallel_loop3A_489] {strides = array<i32>} : memref<8x768xf32, #tpu.memory_space<vmem>>, vector<1x16xf32>,
        %parallel_loop3A_491 = vector.shape_cast %parallel_loop3A_490 : vector<1x16xf32> to vector<16xf32>
        %parallel_loop3A_492 = vector.shape_cast %parallel_loop3A_468 : vector<16xf32> to vector<1x16xf32>
        tpu.vector_store %arg14[%parallel_loop3A_488, %parallel_loop3A_489], %parallel_loop3A_492 {add = true, strides = array<i32>} : memref<8x768xf32, #tpu.memory_space<vmem>>, vector<1x16xf32>,
        %parallel_loop3A_493 = arith.constant 4 : i32
        %parallel_loop3A_494 = arith.index_cast %parallel_loop3A_493 : i32 to index
        %parallel_loop3A_495 = arith.index_cast %parallel_loop3A_376 : i32 to index
        %parallel_loop3A_496 = tpu.vector_load %arg16[%parallel_loop3A_494, %parallel_loop3A_495] {strides = array<i32>} : memref<8x768xf32, #tpu.memory_space<vmem>>, vector<1x16xf32>,
        %parallel_loop3A_497 = vector.shape_cast %parallel_loop3A_496 : vector<1x16xf32> to vector<16xf32>
        %parallel_loop3A_498 = arith.constant 4 : i32
        %parallel_loop3A_499 = arith.index_cast %parallel_loop3A_498 : i32 to index
        %parallel_loop3A_500 = arith.index_cast %parallel_loop3A_376 : i32 to index
        %parallel_loop3A_501 = tpu.vector_load %arg11[%parallel_loop3A_499, %parallel_loop3A_500] {strides = array<i32>} : memref<8x768xf32, #tpu.memory_space<vmem>>, vector<1x16xf32>,
        %parallel_loop3A_502 = vector.shape_cast %parallel_loop3A_501 : vector<1x16xf32> to vector<16xf32>
        %parallel_loop3A_503 = vector.shape_cast %parallel_loop3A_497 : vector<16xf32> to vector<1x16xf32>
        tpu.vector_store %arg11[%parallel_loop3A_499, %parallel_loop3A_500], %parallel_loop3A_503 {add = true, strides = array<i32>} : memref<8x768xf32, #tpu.memory_space<vmem>>, vector<1x16xf32>,
        %parallel_loop3A_504 = arith.constant 4 : i32
        %parallel_loop3A_505 = arith.index_cast %parallel_loop3A_504 : i32 to index
        %parallel_loop3A_506 = arith.index_cast %parallel_loop3A_376 : i32 to index
        %parallel_loop3A_507 = tpu.vector_load %arg12[%parallel_loop3A_505, %parallel_loop3A_506] {strides = array<i32>} : memref<8x768xf32, #tpu.memory_space<vmem>>, vector<1x16xf32>,
        %parallel_loop3A_508 = vector.shape_cast %parallel_loop3A_507 : vector<1x16xf32> to vector<16xf32>
        %parallel_loop3A_509 = vector.shape_cast %parallel_loop3A_497 : vector<16xf32> to vector<1x16xf32>
        tpu.vector_store %arg12[%parallel_loop3A_505, %parallel_loop3A_506], %parallel_loop3A_509 {add = true, strides = array<i32>} : memref<8x768xf32, #tpu.memory_space<vmem>>, vector<1x16xf32>,
        %parallel_loop3A_510 = arith.constant 4 : i32
        %parallel_loop3A_511 = arith.index_cast %parallel_loop3A_510 : i32 to index
        %parallel_loop3A_512 = arith.index_cast %parallel_loop3A_376 : i32 to index
        %parallel_loop3A_513 = tpu.vector_load %arg13[%parallel_loop3A_511, %parallel_loop3A_512] {strides = array<i32>} : memref<8x768xf32, #tpu.memory_space<vmem>>, vector<1x16xf32>,
        %parallel_loop3A_514 = vector.shape_cast %parallel_loop3A_513 : vector<1x16xf32> to vector<16xf32>
        %parallel_loop3A_515 = vector.shape_cast %parallel_loop3A_497 : vector<16xf32> to vector<1x16xf32>
        tpu.vector_store %arg13[%parallel_loop3A_511, %parallel_loop3A_512], %parallel_loop3A_515 {add = true, strides = array<i32>} : memref<8x768xf32, #tpu.memory_space<vmem>>, vector<1x16xf32>,
        %parallel_loop3A_516 = arith.constant 4 : i32
        %parallel_loop3A_517 = arith.index_cast %parallel_loop3A_516 : i32 to index
        %parallel_loop3A_518 = arith.index_cast %parallel_loop3A_376 : i32 to index
        %parallel_loop3A_519 = tpu.vector_load %arg14[%parallel_loop3A_517, %parallel_loop3A_518] {strides = array<i32>} : memref<8x768xf32, #tpu.memory_space<vmem>>, vector<1x16xf32>,
        %parallel_loop3A_520 = vector.shape_cast %parallel_loop3A_519 : vector<1x16xf32> to vector<16xf32>
        %parallel_loop3A_521 = vector.shape_cast %parallel_loop3A_497 : vector<16xf32> to vector<1x16xf32>
        tpu.vector_store %arg14[%parallel_loop3A_517, %parallel_loop3A_518], %parallel_loop3A_521 {add = true, strides = array<i32>} : memref<8x768xf32, #tpu.memory_space<vmem>>, vector<1x16xf32>,
        %parallel_loop3A_522 = arith.constant 5 : i32
        %parallel_loop3A_523 = arith.index_cast %parallel_loop3A_522 : i32 to index
        %parallel_loop3A_524 = arith.index_cast %parallel_loop3A_376 : i32 to index
        %parallel_loop3A_525 = tpu.vector_load %arg16[%parallel_loop3A_523, %parallel_loop3A_524] {strides = array<i32>} : memref<8x768xf32, #tpu.memory_space<vmem>>, vector<1x16xf32>,
        %parallel_loop3A_526 = vector.shape_cast %parallel_loop3A_525 : vector<1x16xf32> to vector<16xf32>
        %parallel_loop3A_527 = arith.constant 5 : i32
        %parallel_loop3A_528 = arith.index_cast %parallel_loop3A_527 : i32 to index
        %parallel_loop3A_529 = arith.index_cast %parallel_loop3A_376 : i32 to index
        %parallel_loop3A_530 = tpu.vector_load %arg11[%parallel_loop3A_528, %parallel_loop3A_529] {strides = array<i32>} : memref<8x768xf32, #tpu.memory_space<vmem>>, vector<1x16xf32>,
        %parallel_loop3A_531 = vector.shape_cast %parallel_loop3A_530 : vector<1x16xf32> to vector<16xf32>
        %parallel_loop3A_532 = vector.shape_cast %parallel_loop3A_526 : vector<16xf32> to vector<1x16xf32>
        tpu.vector_store %arg11[%parallel_loop3A_528, %parallel_loop3A_529], %parallel_loop3A_532 {add = true, strides = array<i32>} : memref<8x768xf32, #tpu.memory_space<vmem>>, vector<1x16xf32>,
        %parallel_loop3A_533 = arith.constant 5 : i32
        %parallel_loop3A_534 = arith.index_cast %parallel_loop3A_533 : i32 to index
        %parallel_loop3A_535 = arith.index_cast %parallel_loop3A_376 : i32 to index
        %parallel_loop3A_536 = tpu.vector_load %arg12[%parallel_loop3A_534, %parallel_loop3A_535] {strides = array<i32>} : memref<8x768xf32, #tpu.memory_space<vmem>>, vector<1x16xf32>,
        %parallel_loop3A_537 = vector.shape_cast %parallel_loop3A_536 : vector<1x16xf32> to vector<16xf32>
        %parallel_loop3A_538 = vector.shape_cast %parallel_loop3A_526 : vector<16xf32> to vector<1x16xf32>
        tpu.vector_store %arg12[%parallel_loop3A_534, %parallel_loop3A_535], %parallel_loop3A_538 {add = true, strides = array<i32>} : memref<8x768xf32, #tpu.memory_space<vmem>>, vector<1x16xf32>,
        %parallel_loop3A_539 = arith.constant 5 : i32
        %parallel_loop3A_540 = arith.index_cast %parallel_loop3A_539 : i32 to index
        %parallel_loop3A_541 = arith.index_cast %parallel_loop3A_376 : i32 to index
        %parallel_loop3A_542 = tpu.vector_load %arg13[%parallel_loop3A_540, %parallel_loop3A_541] {strides = array<i32>} : memref<8x768xf32, #tpu.memory_space<vmem>>, vector<1x16xf32>,
        %parallel_loop3A_543 = vector.shape_cast %parallel_loop3A_542 : vector<1x16xf32> to vector<16xf32>
        %parallel_loop3A_544 = vector.shape_cast %parallel_loop3A_526 : vector<16xf32> to vector<1x16xf32>
        tpu.vector_store %arg13[%parallel_loop3A_540, %parallel_loop3A_541], %parallel_loop3A_544 {add = true, strides = array<i32>} : memref<8x768xf32, #tpu.memory_space<vmem>>, vector<1x16xf32>,
        %parallel_loop3A_545 = arith.constant 5 : i32
        %parallel_loop3A_546 = arith.index_cast %parallel_loop3A_545 : i32 to index
        %parallel_loop3A_547 = arith.index_cast %parallel_loop3A_376 : i32 to index
        %parallel_loop3A_548 = tpu.vector_load %arg14[%parallel_loop3A_546, %parallel_loop3A_547] {strides = array<i32>} : memref<8x768xf32, #tpu.memory_space<vmem>>, vector<1x16xf32>,
        %parallel_loop3A_549 = vector.shape_cast %parallel_loop3A_548 : vector<1x16xf32> to vector<16xf32>
        %parallel_loop3A_550 = vector.shape_cast %parallel_loop3A_526 : vector<16xf32> to vector<1x16xf32>
        tpu.vector_store %arg14[%parallel_loop3A_546, %parallel_loop3A_547], %parallel_loop3A_550 {add = true, strides = array<i32>} : memref<8x768xf32, #tpu.memory_space<vmem>>, vector<1x16xf32>,
        %parallel_loop3A_551 = arith.constant 6 : i32
        %parallel_loop3A_552 = arith.index_cast %parallel_loop3A_551 : i32 to index
        %parallel_loop3A_553 = arith.index_cast %parallel_loop3A_376 : i32 to index
        %parallel_loop3A_554 = tpu.vector_load %arg16[%parallel_loop3A_552, %parallel_loop3A_553] {strides = array<i32>} : memref<8x768xf32, #tpu.memory_space<vmem>>, vector<1x16xf32>,
        %parallel_loop3A_555 = vector.shape_cast %parallel_loop3A_554 : vector<1x16xf32> to vector<16xf32>
        %parallel_loop3A_556 = arith.constant 6 : i32
        %parallel_loop3A_557 = arith.index_cast %parallel_loop3A_556 : i32 to index
        %parallel_loop3A_558 = arith.index_cast %parallel_loop3A_376 : i32 to index
        %parallel_loop3A_559 = tpu.vector_load %arg11[%parallel_loop3A_557, %parallel_loop3A_558] {strides = array<i32>} : memref<8x768xf32, #tpu.memory_space<vmem>>, vector<1x16xf32>,
        %parallel_loop3A_560 = vector.shape_cast %parallel_loop3A_559 : vector<1x16xf32> to vector<16xf32>
        %parallel_loop3A_561 = vector.shape_cast %parallel_loop3A_555 : vector<16xf32> to vector<1x16xf32>
        tpu.vector_store %arg11[%parallel_loop3A_557, %parallel_loop3A_558], %parallel_loop3A_561 {add = true, strides = array<i32>} : memref<8x768xf32, #tpu.memory_space<vmem>>, vector<1x16xf32>,
        %parallel_loop3A_562 = arith.constant 6 : i32
        %parallel_loop3A_563 = arith.index_cast %parallel_loop3A_562 : i32 to index
        %parallel_loop3A_564 = arith.index_cast %parallel_loop3A_376 : i32 to index
        %parallel_loop3A_565 = tpu.vector_load %arg12[%parallel_loop3A_563, %parallel_loop3A_564] {strides = array<i32>} : memref<8x768xf32, #tpu.memory_space<vmem>>, vector<1x16xf32>,
        %parallel_loop3A_566 = vector.shape_cast %parallel_loop3A_565 : vector<1x16xf32> to vector<16xf32>
        %parallel_loop3A_567 = vector.shape_cast %parallel_loop3A_555 : vector<16xf32> to vector<1x16xf32>
        tpu.vector_store %arg12[%parallel_loop3A_563, %parallel_loop3A_564], %parallel_loop3A_567 {add = true, strides = array<i32>} : memref<8x768xf32, #tpu.memory_space<vmem>>, vector<1x16xf32>,
        %parallel_loop3A_568 = arith.constant 6 : i32
        %parallel_loop3A_569 = arith.index_cast %parallel_loop3A_568 : i32 to index
        %parallel_loop3A_570 = arith.index_cast %parallel_loop3A_376 : i32 to index
        %parallel_loop3A_571 = tpu.vector_load %arg13[%parallel_loop3A_569, %parallel_loop3A_570] {strides = array<i32>} : memref<8x768xf32, #tpu.memory_space<vmem>>, vector<1x16xf32>,
        %parallel_loop3A_572 = vector.shape_cast %parallel_loop3A_571 : vector<1x16xf32> to vector<16xf32>
        %parallel_loop3A_573 = vector.shape_cast %parallel_loop3A_555 : vector<16xf32> to vector<1x16xf32>
        tpu.vector_store %arg13[%parallel_loop3A_569, %parallel_loop3A_570], %parallel_loop3A_573 {add = true, strides = array<i32>} : memref<8x768xf32, #tpu.memory_space<vmem>>, vector<1x16xf32>,
        %parallel_loop3A_574 = arith.constant 6 : i32
        %parallel_loop3A_575 = arith.index_cast %parallel_loop3A_574 : i32 to index
        %parallel_loop3A_576 = arith.index_cast %parallel_loop3A_376 : i32 to index
        %parallel_loop3A_577 = tpu.vector_load %arg14[%parallel_loop3A_575, %parallel_loop3A_576] {strides = array<i32>} : memref<8x768xf32, #tpu.memory_space<vmem>>, vector<1x16xf32>,
        %parallel_loop3A_578 = vector.shape_cast %parallel_loop3A_577 : vector<1x16xf32> to vector<16xf32>
        %parallel_loop3A_579 = vector.shape_cast %parallel_loop3A_555 : vector<16xf32> to vector<1x16xf32>
        tpu.vector_store %arg14[%parallel_loop3A_575, %parallel_loop3A_576], %parallel_loop3A_579 {add = true, strides = array<i32>} : memref<8x768xf32, #tpu.memory_space<vmem>>, vector<1x16xf32>,
        %parallel_loop3A_580 = arith.constant 7 : i32
        %parallel_loop3A_581 = arith.index_cast %parallel_loop3A_580 : i32 to index
        %parallel_loop3A_582 = arith.index_cast %parallel_loop3A_376 : i32 to index
        %parallel_loop3A_583 = tpu.vector_load %arg16[%parallel_loop3A_581, %parallel_loop3A_582] {strides = array<i32>} : memref<8x768xf32, #tpu.memory_space<vmem>>, vector<1x16xf32>,
        %parallel_loop3A_584 = vector.shape_cast %parallel_loop3A_583 : vector<1x16xf32> to vector<16xf32>
        %parallel_loop3A_585 = arith.constant 7 : i32
        %parallel_loop3A_586 = arith.index_cast %parallel_loop3A_585 : i32 to index
        %parallel_loop3A_587 = arith.index_cast %parallel_loop3A_376 : i32 to index
        %parallel_loop3A_588 = tpu.vector_load %arg11[%parallel_loop3A_586, %parallel_loop3A_587] {strides = array<i32>} : memref<8x768xf32, #tpu.memory_space<vmem>>, vector<1x16xf32>,
        %parallel_loop3A_589 = vector.shape_cast %parallel_loop3A_588 : vector<1x16xf32> to vector<16xf32>
        %parallel_loop3A_590 = vector.shape_cast %parallel_loop3A_584 : vector<16xf32> to vector<1x16xf32>
        tpu.vector_store %arg11[%parallel_loop3A_586, %parallel_loop3A_587], %parallel_loop3A_590 {add = true, strides = array<i32>} : memref<8x768xf32, #tpu.memory_space<vmem>>, vector<1x16xf32>,
        %parallel_loop3A_591 = arith.constant 7 : i32
        %parallel_loop3A_592 = arith.index_cast %parallel_loop3A_591 : i32 to index
        %parallel_loop3A_593 = arith.index_cast %parallel_loop3A_376 : i32 to index
        %parallel_loop3A_594 = tpu.vector_load %arg12[%parallel_loop3A_592, %parallel_loop3A_593] {strides = array<i32>} : memref<8x768xf32, #tpu.memory_space<vmem>>, vector<1x16xf32>,
        %parallel_loop3A_595 = vector.shape_cast %parallel_loop3A_594 : vector<1x16xf32> to vector<16xf32>
        %parallel_loop3A_596 = vector.shape_cast %parallel_loop3A_584 : vector<16xf32> to vector<1x16xf32>
        tpu.vector_store %arg12[%parallel_loop3A_592, %parallel_loop3A_593], %parallel_loop3A_596 {add = true, strides = array<i32>} : memref<8x768xf32, #tpu.memory_space<vmem>>, vector<1x16xf32>,
        %parallel_loop3A_597 = arith.constant 7 : i32
        %parallel_loop3A_598 = arith.index_cast %parallel_loop3A_597 : i32 to index
        %parallel_loop3A_599 = arith.index_cast %parallel_loop3A_376 : i32 to index
        %parallel_loop3A_600 = tpu.vector_load %arg13[%parallel_loop3A_598, %parallel_loop3A_599] {strides = array<i32>} : memref<8x768xf32, #tpu.memory_space<vmem>>, vector<1x16xf32>,
        %parallel_loop3A_601 = vector.shape_cast %parallel_loop3A_600 : vector<1x16xf32> to vector<16xf32>
        %parallel_loop3A_602 = vector.shape_cast %parallel_loop3A_584 : vector<16xf32> to vector<1x16xf32>
        tpu.vector_store %arg13[%parallel_loop3A_598, %parallel_loop3A_599], %parallel_loop3A_602 {add = true, strides = array<i32>} : memref<8x768xf32, #tpu.memory_space<vmem>>, vector<1x16xf32>,
        %parallel_loop3A_603 = arith.constant 7 : i32
        %parallel_loop3A_604 = arith.index_cast %parallel_loop3A_603 : i32 to index
        %parallel_loop3A_605 = arith.index_cast %parallel_loop3A_376 : i32 to index
        %parallel_loop3A_606 = tpu.vector_load %arg14[%parallel_loop3A_604, %parallel_loop3A_605] {strides = array<i32>} : memref<8x768xf32, #tpu.memory_space<vmem>>, vector<1x16xf32>,
        %parallel_loop3A_607 = vector.shape_cast %parallel_loop3A_606 : vector<1x16xf32> to vector<16xf32>
        %parallel_loop3A_608 = vector.shape_cast %parallel_loop3A_584 : vector<16xf32> to vector<1x16xf32>
        tpu.vector_store %arg14[%parallel_loop3A_604, %parallel_loop3A_605], %parallel_loop3A_608 {add = true, strides = array<i32>} : memref<8x768xf32, #tpu.memory_space<vmem>>, vector<1x16xf32>,
      } {sc.loop_unroll_factor = 1 : i64, sc.parallel_access}
      %add3A_338 = arith.constant 0 : i32
      %add3A_339 = arith.addi %add3A_338, %mul3A_2 : i32
      %mul3A_340 = arith.constant 8 : i32
      %mul3A_341 = arith.muli %add3A_288, %mul3A_340 : i32
      %add3A_342 = arith.addi %add3A_339, %mul3A_341 : i32
      %add3A_343 = arith.constant 2048 : i32
      %add3A_344 = arith.addi %add3A_343, %mul3A_2 : i32
      %mul3A_345 = arith.constant 8 : i32
      %mul3A_346 = arith.muli %add3A_288, %mul3A_345 : i32
      %add3A_347 = arith.addi %add3A_344, %mul3A_346 : i32
      %add3A_348 = arith.constant 4096 : i32
      %add3A_349 = arith.addi %add3A_348, %mul3A_2 : i32
      %mul3A_350 = arith.constant 8 : i32
      %mul3A_351 = arith.muli %add3A_288, %mul3A_350 : i32
      %add3A_352 = arith.addi %add3A_349, %mul3A_351 : i32
      %add3A_353 = arith.constant 6144 : i32
      %add3A_354 = arith.addi %add3A_353, %mul3A_2 : i32
      %mul3A_355 = arith.constant 8 : i32
      %mul3A_356 = arith.muli %add3A_288, %mul3A_355 : i32
      %add3A_357 = arith.addi %add3A_354, %mul3A_356 : i32
      %dma_start3A_358 = arith.constant 0 : i32
      %dma_start3A_359 = tpu.memref_slice %arg5[%add3A_342, %dma_start3A_358] : memref<8192x768xf32, #tpu.memory_space<hbm>> -> memref<8x768xf32, #tpu.memory_space<hbm>>
      %dma_start3A_360 = arith.constant 0 : i32
      %dma_start3A_361 = tpu.memref_slice %arg5[%add3A_342, %dma_start3A_360] : memref<8192x768xf32, #tpu.memory_space<hbm>> -> memref<8x768xf32, #tpu.memory_space<hbm>>
      tpu.enqueue_dma source(%arg11 : memref<8x768xf32, #tpu.memory_space<vmem>>) target(%dma_start3A_361 : memref<8x768xf32, #tpu.memory_space<hbm>>) target_semaphore(%arg20 : memref<!tpu.dma_semaphore, #tpu.memory_space<semaphore_mem>>)
      %dma_start3A_362 = arith.constant 0 : i32
      %dma_start3A_363 = tpu.memref_slice %arg5[%add3A_347, %dma_start3A_362] : memref<8192x768xf32, #tpu.memory_space<hbm>> -> memref<8x768xf32, #tpu.memory_space<hbm>>
      %dma_start3A_364 = arith.constant 0 : i32
      %dma_start3A_365 = tpu.memref_slice %arg5[%add3A_347, %dma_start3A_364] : memref<8192x768xf32, #tpu.memory_space<hbm>> -> memref<8x768xf32, #tpu.memory_space<hbm>>
      tpu.enqueue_dma source(%arg12 : memref<8x768xf32, #tpu.memory_space<vmem>>) target(%dma_start3A_365 : memref<8x768xf32, #tpu.memory_space<hbm>>) target_semaphore(%arg20 : memref<!tpu.dma_semaphore, #tpu.memory_space<semaphore_mem>>)
      %dma_start3A_366 = arith.constant 0 : i32
      %dma_start3A_367 = tpu.memref_slice %arg5[%add3A_352, %dma_start3A_366] : memref<8192x768xf32, #tpu.memory_space<hbm>> -> memref<8x768xf32, #tpu.memory_space<hbm>>
      %dma_start3A_368 = arith.constant 0 : i32
      %dma_start3A_369 = tpu.memref_slice %arg5[%add3A_352, %dma_start3A_368] : memref<8192x768xf32, #tpu.memory_space<hbm>> -> memref<8x768xf32, #tpu.memory_space<hbm>>
      tpu.enqueue_dma source(%arg13 : memref<8x768xf32, #tpu.memory_space<vmem>>) target(%dma_start3A_369 : memref<8x768xf32, #tpu.memory_space<hbm>>) target_semaphore(%arg20 : memref<!tpu.dma_semaphore, #tpu.memory_space<semaphore_mem>>)
      %dma_start3A_370 = arith.constant 0 : i32
      %dma_start3A_371 = tpu.memref_slice %arg5[%add3A_357, %dma_start3A_370] : memref<8192x768xf32, #tpu.memory_space<hbm>> -> memref<8x768xf32, #tpu.memory_space<hbm>>
      %dma_start3A_372 = arith.constant 0 : i32
      %dma_start3A_373 = tpu.memref_slice %arg5[%add3A_357, %dma_start3A_372] : memref<8192x768xf32, #tpu.memory_space<hbm>> -> memref<8x768xf32, #tpu.memory_space<hbm>>
      tpu.enqueue_dma source(%arg14 : memref<8x768xf32, #tpu.memory_space<vmem>>) target(%dma_start3A_373 : memref<8x768xf32, #tpu.memory_space<hbm>>) target_semaphore(%arg20 : memref<!tpu.dma_semaphore, #tpu.memory_space<semaphore_mem>>)
    }
    %scan3A_134 = arith.constant 4 : i32
    %add3A_135 = arith.constant 0 : i32
    %add3A_136 = arith.addi %add3A_135, %mul3A_2 : i32
    %add3A_137 = arith.constant 48 : i32
    %add3A_138 = arith.addi %add3A_136, %add3A_137 : i32
    %add3A_139 = arith.constant 2048 : i32
    %add3A_140 = arith.addi %add3A_139, %mul3A_2 : i32
    %add3A_141 = arith.constant 48 : i32
    %add3A_142 = arith.addi %add3A_140, %add3A_141 : i32
    %add3A_143 = arith.constant 4096 : i32
    %add3A_144 = arith.addi %add3A_143, %mul3A_2 : i32
    %add3A_145 = arith.constant 48 : i32
    %add3A_146 = arith.addi %add3A_144, %add3A_145 : i32
    %add3A_147 = arith.constant 6144 : i32
    %add3A_148 = arith.addi %add3A_147, %mul3A_2 : i32
    %add3A_149 = arith.constant 48 : i32
    %add3A_150 = arith.addi %add3A_148, %add3A_149 : i32
    %dma_wait3A_151 = arith.constant 0 : i32
    %dma_wait3A_152 = tpu.memref_slice %arg5[%add3A_138, %dma_wait3A_151] : memref<8192x768xf32, #tpu.memory_space<hbm>> -> memref<8x768xf32, #tpu.memory_space<hbm>>
    %dma_wait3A_153 = arith.constant 0 : i32
    %dma_wait3A_154 = tpu.memref_slice %arg5[%add3A_138, %dma_wait3A_153] : memref<8192x768xf32, #tpu.memory_space<hbm>> -> memref<8x768xf32, #tpu.memory_space<hbm>>
    tpu.wait_dma2 semaphore(%arg19 : memref<!tpu.dma_semaphore, #tpu.memory_space<semaphore_mem>>) src(%arg7 : memref<8x768xf32, #tpu.memory_space<vmem>>) dst(%dma_wait3A_154 : memref<8x768xf32, #tpu.memory_space<hbm>>)
    %dma_wait3A_155 = arith.constant 0 : i32
    %dma_wait3A_156 = tpu.memref_slice %arg5[%add3A_142, %dma_wait3A_155] : memref<8192x768xf32, #tpu.memory_space<hbm>> -> memref<8x768xf32, #tpu.memory_space<hbm>>
    %dma_wait3A_157 = arith.constant 0 : i32
    %dma_wait3A_158 = tpu.memref_slice %arg5[%add3A_142, %dma_wait3A_157] : memref<8192x768xf32, #tpu.memory_space<hbm>> -> memref<8x768xf32, #tpu.memory_space<hbm>>
    tpu.wait_dma2 semaphore(%arg19 : memref<!tpu.dma_semaphore, #tpu.memory_space<semaphore_mem>>) src(%arg8 : memref<8x768xf32, #tpu.memory_space<vmem>>) dst(%dma_wait3A_158 : memref<8x768xf32, #tpu.memory_space<hbm>>)
    %dma_wait3A_159 = arith.constant 0 : i32
    %dma_wait3A_160 = tpu.memref_slice %arg5[%add3A_146, %dma_wait3A_159] : memref<8192x768xf32, #tpu.memory_space<hbm>> -> memref<8x768xf32, #tpu.memory_space<hbm>>
    %dma_wait3A_161 = arith.constant 0 : i32
    %dma_wait3A_162 = tpu.memref_slice %arg5[%add3A_146, %dma_wait3A_161] : memref<8192x768xf32, #tpu.memory_space<hbm>> -> memref<8x768xf32, #tpu.memory_space<hbm>>
    tpu.wait_dma2 semaphore(%arg19 : memref<!tpu.dma_semaphore, #tpu.memory_space<semaphore_mem>>) src(%arg9 : memref<8x768xf32, #tpu.memory_space<vmem>>) dst(%dma_wait3A_162 : memref<8x768xf32, #tpu.memory_space<hbm>>)
    %dma_wait3A_163 = arith.constant 0 : i32
    %dma_wait3A_164 = tpu.memref_slice %arg5[%add3A_150, %dma_wait3A_163] : memref<8192x768xf32, #tpu.memory_space<hbm>> -> memref<8x768xf32, #tpu.memory_space<hbm>>
    %dma_wait3A_165 = arith.constant 0 : i32
    %dma_wait3A_166 = tpu.memref_slice %arg5[%add3A_150, %dma_wait3A_165] : memref<8192x768xf32, #tpu.memory_space<hbm>> -> memref<8x768xf32, #tpu.memory_space<hbm>>
    tpu.wait_dma2 semaphore(%arg19 : memref<!tpu.dma_semaphore, #tpu.memory_space<semaphore_mem>>) src(%arg10 : memref<8x768xf32, #tpu.memory_space<vmem>>) dst(%dma_wait3A_166 : memref<8x768xf32, #tpu.memory_space<hbm>>)
    %add3A_167 = arith.constant 0 : i32
    %add3A_168 = arith.addi %add3A_167, %mul3A_2 : i32
    %add3A_169 = arith.constant 56 : i32
    %add3A_170 = arith.addi %add3A_168, %add3A_169 : i32
    %add3A_171 = arith.constant 2048 : i32
    %add3A_172 = arith.addi %add3A_171, %mul3A_2 : i32
    %add3A_173 = arith.constant 56 : i32
    %add3A_174 = arith.addi %add3A_172, %add3A_173 : i32
    %add3A_175 = arith.constant 4096 : i32
    %add3A_176 = arith.addi %add3A_175, %mul3A_2 : i32
    %add3A_177 = arith.constant 56 : i32
    %add3A_178 = arith.addi %add3A_176, %add3A_177 : i32
    %add3A_179 = arith.constant 6144 : i32
    %add3A_180 = arith.addi %add3A_179, %mul3A_2 : i32
    %add3A_181 = arith.constant 56 : i32
    %add3A_182 = arith.addi %add3A_180, %add3A_181 : i32
    %dma_wait3A_183 = arith.constant 0 : i32
    %dma_wait3A_184 = tpu.memref_slice %arg5[%add3A_170, %dma_wait3A_183] : memref<8192x768xf32, #tpu.memory_space<hbm>> -> memref<8x768xf32, #tpu.memory_space<hbm>>
    %dma_wait3A_185 = arith.constant 0 : i32
    %dma_wait3A_186 = tpu.memref_slice %arg5[%add3A_170, %dma_wait3A_185] : memref<8192x768xf32, #tpu.memory_space<hbm>> -> memref<8x768xf32, #tpu.memory_space<hbm>>
    tpu.wait_dma2 semaphore(%arg20 : memref<!tpu.dma_semaphore, #tpu.memory_space<semaphore_mem>>) src(%arg11 : memref<8x768xf32, #tpu.memory_space<vmem>>) dst(%dma_wait3A_186 : memref<8x768xf32, #tpu.memory_space<hbm>>)
    %dma_wait3A_187 = arith.constant 0 : i32
    %dma_wait3A_188 = tpu.memref_slice %arg5[%add3A_174, %dma_wait3A_187] : memref<8192x768xf32, #tpu.memory_space<hbm>> -> memref<8x768xf32, #tpu.memory_space<hbm>>
    %dma_wait3A_189 = arith.constant 0 : i32
    %dma_wait3A_190 = tpu.memref_slice %arg5[%add3A_174, %dma_wait3A_189] : memref<8192x768xf32, #tpu.memory_space<hbm>> -> memref<8x768xf32, #tpu.memory_space<hbm>>
    tpu.wait_dma2 semaphore(%arg20 : memref<!tpu.dma_semaphore, #tpu.memory_space<semaphore_mem>>) src(%arg12 : memref<8x768xf32, #tpu.memory_space<vmem>>) dst(%dma_wait3A_190 : memref<8x768xf32, #tpu.memory_space<hbm>>)
    %dma_wait3A_191 = arith.constant 0 : i32
    %dma_wait3A_192 = tpu.memref_slice %arg5[%add3A_178, %dma_wait3A_191] : memref<8192x768xf32, #tpu.memory_space<hbm>> -> memref<8x768xf32, #tpu.memory_space<hbm>>
    %dma_wait3A_193 = arith.constant 0 : i32
    %dma_wait3A_194 = tpu.memref_slice %arg5[%add3A_178, %dma_wait3A_193] : memref<8192x768xf32, #tpu.memory_space<hbm>> -> memref<8x768xf32, #tpu.memory_space<hbm>>
    tpu.wait_dma2 semaphore(%arg20 : memref<!tpu.dma_semaphore, #tpu.memory_space<semaphore_mem>>) src(%arg13 : memref<8x768xf32, #tpu.memory_space<vmem>>) dst(%dma_wait3A_194 : memref<8x768xf32, #tpu.memory_space<hbm>>)
    %dma_wait3A_195 = arith.constant 0 : i32
    %dma_wait3A_196 = tpu.memref_slice %arg5[%add3A_182, %dma_wait3A_195] : memref<8192x768xf32, #tpu.memory_space<hbm>> -> memref<8x768xf32, #tpu.memory_space<hbm>>
    %dma_wait3A_197 = arith.constant 0 : i32
    %dma_wait3A_198 = tpu.memref_slice %arg5[%add3A_182, %dma_wait3A_197] : memref<8192x768xf32, #tpu.memory_space<hbm>> -> memref<8x768xf32, #tpu.memory_space<hbm>>
    tpu.wait_dma2 semaphore(%arg20 : memref<!tpu.dma_semaphore, #tpu.memory_space<semaphore_mem>>) src(%arg14 : memref<8x768xf32, #tpu.memory_space<vmem>>) dst(%dma_wait3A_198 : memref<8x768xf32, #tpu.memory_space<hbm>>)
    return
  }
}

</mosaic_0001>

<sc_bundles>
// kernel: kernel.3.cloned.1.call-start
scs
__scs_entry_jumppad:
0x0: {  	(pc) =	sbr.rel $0x88, $3  }
0x1: {  	(tag) =	ssettag $0x0;
	lr =	simm.s32 $0x1  }
0x2: {  	[smem:$0x3F9E] =	sst lr;
	_ =	strace $0xD0000000  }
0x3: {  	_ = 	snop  }
0x4: {  	_ = 	snop  }
0x5: {  	_ = 	snop  }
0x6: {  	_ = 	snop  }
0x7: {  	_ = 	snop  }
__scs_overlays_trampoline_lowered:
0x8: {  	[smem:$0x3FAD] =	sst s0  }
0x9: {  	[smem:$0x3FAE] =	sst s1  }
0xa: {  	[smem:$0x3FAF] =	sst s2  }
0xb: {  	[smem:$0x3FB0] =	sst s3  }
0xc: {  	[smem:$0x3FB1] =	sst s4  }
0xd: {  	[smem:$0x3FB2] =	sst s5  }
0xe: {  	[smem:$0x3FB3] =	sst s6  }
0xf: {  	[smem:$0x3FB4] =	sst s7  }
0x10: {  	[smem:$0x3FB5] =	sst s8  }
0x11: {  	[smem:$0x3FB6] =	sst s9;
	s0 =	simm.s32 @!p0 $0x0  }
0x12: {  	s1 =	sld [smem:$0x3F9C];
	s0 =	simm.s32 @p0 $0x1  }
0x13: {  	[smem:$0x3FB7] =	sst s0;
	s0 =	simm.s32 @!p1 $0x0  }
0x14: {  	s2 =	sld [smem:$0x3F9B];
	s0 =	simm.s32 @p1 $0x1  }
0x15: {  	[smem:$0x3FB8] =	sst s0;
	s0 =	simm.s32 @!p2 $0x0  }
0x16: {  	s3 =	sld [smem:$0x3FDB];
	s0 =	simm.s32 @p2 $0x1  }
0x17: {  	s4 =	simm.s32 $0x1BF5;
	[smem:$0x3FBA] =	sst s0  }
0x18: {  	s0 =	sld [smem:$0x3F9D];
	_ =	swait.ge [sflag:s4], $0x0  }
0x19: {  	s7 =	sld [smem:$0x3F9E]  }
0x1a: {  	s8 =	sadd.s32 $0xFFFFE003, lr  }
0x1b: {  	s9 =	sadd.s32 $0xFFFFFEF7, lr;
	s5 =	simm.s32 $0xFFFFFFFF;
	p2 =	slt.u32 s8, $0xFFFFF086  }
0x1c: {  	p1 =	slt.u32 s9, $0xF7A;
	s5 =	simm.s32 @!p2 $0x0  }
0x1d: {  	s5 =	simm.s32 @p1 $0x1;
	p0 =	seq.s32 s7, s2  }
0x1e: {  	s7 =	smul.u32 @!p0 $0xF7A, s2;
	p2 =	seq.s32 @!p0 s5, $0x0  }
0x1f: {  	s9 =	smul.u32 $0xF7A, s1;
	s8 =	simm.s32 @!p0 $0x1BF5;
	p2 =	por !p2, p0  }
0x20: {  	[sflag:s8] =	ssyncset.s32 @!p0 $0xFFFFF086;
	s6 =	sadd.s32 @!p0 s3, s7;
	s7 =	simm.s32 @!p0 $0x108  }
0x21: {  	s3 =	sadd.s32 s3, s9;
	s6 =	sadd.s32 @!p0 $0x88, s6;
	s7 =	simm.s32 @p2 $0x1082  }
0x22: {  	[simem:s7], [sflag:s8] =	dma.local @!p0 [hbm:s6], $0xF7A  }
0x23: {  	s9 =	sor.u32 $0xD0000000, s2;
	s6 =	simm.s32 $0x108;
	_ =	swait.ge @!p0 [sflag:s8], $0x0  }
0x24: {  	s3 =	sadd.s32 $0x88, s3;
	s6 =	simm.s32 @!p1 $0x1082;
	[sflag:s4] =	ssyncset.s32 $0xFFFFF086  }
0x25: {  	[simem:s6], [sflag:s4] =	dma.local [hbm:s3], $0xF7A  }
0x26: {  	[smem:$0x3F9E] =	sst s1;
	(tag) =	ssettag s2;
	_ =	strace s9  }
0x27: {  	s1 =	sld [smem:$0x3FAE]  }
0x28: {  	s2 =	sld [smem:$0x3FAF]  }
0x29: {  	s4 =	sld [smem:$0x3FB1]  }
0x2a: {  	p0 =	seq.s32 s5, $0x0;
	s5 =	sld [smem:$0x3FB2]  }
0x2b: {  	s6 =	sld [smem:$0x3FB3]  }
0x2c: {  	s7 =	sld [smem:$0x3FB4]  }
0x2d: {  	s3 =	simm.s32 $0x108;
	s8 =	sld [smem:$0x3FB5]  }
0x2e: {  	s3 =	simm.s32 @!p0 $0x1082;
	s9 =	sld [smem:$0x3FB6]  }
0x2f: {  	lr =	sadd.s32 s0, s3;
	s0 =	sld [smem:$0x3FAD]  }
0x30: {  	s3 =	sld [smem:$0x3FB0]  }
0x31: {  	[smem:$0x3FB9] =	sst s10  }
0x32: {  	s10 =	sld [smem:$0x3FB7];
	_ =	sdelay $0x3  }
0x33: {  	p0 =	seq.s32 s10, $0x1;
	s10 =	sld [smem:$0x3FB9];
	_ =	sdelay $0x3  }
0x34: {  	[smem:$0x3FB9] =	sst s10  }
0x35: {  	s10 =	sld [smem:$0x3FB8];
	_ =	sdelay $0x3  }
0x36: {  	p1 =	seq.s32 s10, $0x1;
	s10 =	sld [smem:$0x3FB9];
	_ =	sdelay $0x3  }
0x37: {  	[smem:$0x3FB9] =	sst s10  }
0x38: {  	s10 =	sld [smem:$0x3FBA]  }
0x39: {  	_ = 	snop;
	(pc) =	sbr.ind lr, $3  }
0x3a: {  	_ = 	snop  }
0x3b: {  	_ = 	snop  }
0x3c: {  	p2 =	seq.s32 s10, $0x1;
	s10 =	sld [smem:$0x3FB9]  }
0x3d: {  	_ =	shalt  }
0x3e: {  	_ =	shalt  }
0x3f: {  	_ =	shalt  }
0x40: {  	_ =	shalt  }
0x41: {  	_ =	shalt  }
0x42: {  	_ =	shalt  }
0x43: {  	_ =	shalt  }
0x44: {  	_ =	shalt  }
0x45: {  	_ =	shalt  }
0x46: {  	_ =	shalt  }
0x47: {  	_ =	shalt  }
0x48: {  	_ =	shalt  }
0x49: {  	_ =	shalt  }
0x4a: {  	_ =	shalt  }
0x4b: {  	_ =	shalt  }
0x4c: {  	_ =	shalt  }
0x4d: {  	_ =	shalt  }
0x4e: {  	_ =	shalt  }
0x4f: {  	_ =	shalt  }
0x50: {  	_ =	shalt  }
0x51: {  	_ =	shalt  }
0x52: {  	_ =	shalt  }
0x53: {  	_ =	shalt  }
0x54: {  	_ =	shalt  }
0x55: {  	_ =	shalt  }
0x56: {  	_ =	shalt  }
0x57: {  	_ =	shalt  }
0x58: {  	_ =	shalt  }
0x59: {  	_ =	shalt  }
0x5a: {  	_ =	shalt  }
0x5b: {  	_ =	shalt  }
0x5c: {  	_ =	shalt  }
0x5d: {  	_ =	shalt  }
0x5e: {  	_ =	shalt  }
0x5f: {  	_ =	shalt  }
0x60: {  	_ =	shalt  }
0x61: {  	_ =	shalt  }
0x62: {  	_ =	shalt  }
0x63: {  	_ =	shalt  }
0x64: {  	_ =	shalt  }
0x65: {  	_ =	shalt  }
0x66: {  	_ =	shalt  }
0x67: {  	_ =	shalt  }
0x68: {  	_ =	shalt  }
0x69: {  	_ =	shalt  }
0x6a: {  	_ =	shalt  }
0x6b: {  	_ =	shalt  }
0x6c: {  	_ =	shalt  }
0x6d: {  	_ =	shalt  }
0x6e: {  	_ =	shalt  }
0x6f: {  	_ =	shalt  }
0x70: {  	_ =	shalt  }
0x71: {  	_ =	shalt  }
0x72: {  	_ =	shalt  }
0x73: {  	_ =	shalt  }
0x74: {  	_ =	shalt  }
0x75: {  	_ =	shalt  }
0x76: {  	_ =	shalt  }
0x77: {  	_ =	shalt  }
0x78: {  	_ =	shalt  }
0x79: {  	_ =	shalt  }
0x7a: {  	_ =	shalt  }
0x7b: {  	_ =	shalt  }
0x7c: {  	_ =	shalt  }
0x7d: {  	_ =	shalt  }
0x7e: {  	_ =	shalt  }
0x7f: {  	_ =	shalt  }
0x80: {  	_ =	shalt  }
0x81: {  	_ =	shalt  }
0x82: {  	_ =	shalt  }
0x83: {  	_ =	shalt  }
0x84: {  	_ =	shalt  }
0x85: {  	_ =	shalt  }
0x86: {  	_ =	shalt  }
0x87: {  	_ =	shalt  }
.Lfunc_end0:
.L_simem_size_0:
called_computation_lowered:
.L_overlay_start_0:
0x88: {  	s2 =	sld [smem:$0x3FD9]  }
0x89: {  	s3 =	sld [smem:$0x3FFE];
	_ =	sdelay $0x1  }
0x8a: {  	s1 =	srdreg.scid  }
0x8b: {  	s0 =	sand.u32 $0x1, s1  }
0x8c: {  	s18 =	sshll.u32 s0, $0xA;
	s2 =	sadd.s32 s3, s2  }
0x8d: {  	s2 =	sadd.s32 s2, s18  }
0x8e: {  	[smem:$0x3FC5] =	sst s2  }
0x8f: {  	_ = 	snop  }
0x90: {  	s2 =	sld [smem:$0x3FC9]  }
0x91: {  	s19 =	sld [smem:$0x3FC8]  }
0x92: {  	s4 =	sld [smem:$0x3FC7]  }
0x93: {  	s5 =	sld [smem:$0x3FD0];
	(tm) =	ssettm $0x1  }
0x94: {  	s6 =	sld [smem:$0x3FFB];
	_ =	sdelay $0x3  }
0x95: {  	_ =	strace s6  }
0x96: {  	s6 =	sld [smem:$0x3FFC];
	_ =	sdelay $0x3  }
0x97: {  	_ =	strace s6  }
0x98: {  	s6 =	sld [smem:$0x3FFD];
	_ =	sdelay $0x3  }
0x99: {  	_ =	strace s6  }
0x9a: {  	_ =	strace $0x8FFFFFFF  }
0x9b: {  	s20 =	sld [smem:$0x3FDB];
	_ =	sdelay $0x1  }
0x9c: {  	s7 =	simm.s32 $_scs_section_size  }
0x9d: {  	s8 =	simm.s32 $_size__tile_overlayer_lowered;
	s9 =	simm.s32 $_tile_overlayer_lowered  }
0x9e: {  	s23 =	simm.s32 $0x1BFF;
	s22 =	sshll.u32 s9, $0x1;
	s6 =	sadd.s32 s7, s20  }
0x9f: {  	s10 =	simm.s32 $0x0;
	s21 =	sshll.u32 s8, $0x1;
	s8 =	sadd.s32 s22, s6  }
0xa0: {  	[timem:s10], [sflag:s23] =	dma.local [hbm:s8], s21  }
0xa1: {  	_ =	swait.ge [sflag:s23], s21  }
0xa2: {  	s7 =	ssub.s32 $0x0, s21;
	[sflag:s23] =	ssyncset.done $0x0  }
0xa3: {  	[sflag:s23] =	ssyncadd.s32 s7;
	_ =	sdelay $0x1  }
0xa4: {  	s24 =	simm.s32 $0x1B8B  }
0xa5: {  	_ =	swait.ge [sflag:s24], $0x1  }
0xa6: {  	[sflag:s24] =	ssyncset.done $0x0  }
0xa7: {  	s25 =	simm.s32 $0x1B8E;
	[sflag:s24] =	ssyncadd.s32 $0xFFFFFFFF  }
0xa8: {  	s26 =	simm.s32 $execute0_lowered;
	[smem:$0x3FD2] =	sst s25  }
0xa9: {  	s7 =	sshll.u32 s26, $0x1;
	_ =	strace $0x80000046;
	[dreg:$0x1] =	wrdreg $0xFFFFFFFF  }
0xaa: {  	s28 =	simm.s32 $_size_execute0_lowered;
	s6 =	sadd.s32 s6, s7;
	[dreg:$0x0] =	wrdreg $0x0  }
0xab: {  	s7 =	sshll.u32 s28, $0x1;
	[dreg:$0x2] =	wrdreg s6  }
0xac: {  	[dreg:$0x3] =	wrdreg s7  }
0xad: {  	[dreg:$0x4] =	wrdreg $0xC0  }
0xae: {  	_ =	task [dreg:s10], $0x5FFFF  }
0xaf: {  	[dreg:$0x1] =	wrdreg $0xFFFFFFFF  }
0xb0: {  	[dreg:$0x0] =	wrdreg $0x60  }
0xb1: {  	[dreg:$0x2] =	wrdreg s2  }
0xb2: {  	[dreg:$0x3] =	wrdreg s19  }
0xb3: {  	[dreg:$0x4] =	wrdreg s4  }
0xb4: {  	[dreg:$0x5] =	wrdreg s5  }
0xb5: {  	[dreg:$0x6] =	wrdreg $0x9  }
0xb6: {  	_ =	task.clear_ibuf [dreg:s10], $0x7FFFF;
	_ =	strace $0x90000046  }
0xb7: {  	s29 =	simm.s32 $0x9;
	_ =	strace $0x80000048  }
0xb8: {  	_ =	swait.ge [sflag:s29], $0x1  }
0xb9: {  	[sflag:s29] =	ssyncadd.s32 $0xFFFFFFFF  }
0xba: {  	_ =	strace $0x90000048  }
0xbb: {  	_ =	sfence  }
0xbc: {  	s30 =	sld [smem:$0x0];
	_ =	sdelay $0x2  }
0xbd: {  	s31 =	sshll.u32 s1, $0xD;
	s1 =	sshrl.u32 s1, $0x2  }
0xbe: {  	s3 =	sand.u32 $0x4000, s31;
	s1 =	sadd.s32 s1, s30  }
0xbf: {  	s0 =	sor.u32 s3, s0;
	s1 =	sshll.u32 s1, $0x11  }
0xc0: {  	s0 =	sor.u32 s1, s0  }
0xc1: {  	s0 =	sadd.s32 $0x8F2B, s0  }
0xc2: {  	[sflag:s0] =	ssyncadd.remote.s32 $0x1  }
0xc3: {  	_ =	sfence.sel $0xFFFF  }
0xc4: {  	[dreg:$0x0] =	wrdreg $0xFFFFFFFF;
	(pc) =	sbr.abs _section_cstart, $3  }
0xc5: {  	[dreg:$0x1] =	wrdreg $0xFFFFFFFF  }
0xc6: {  	_ =	task.clear_ibuf [dreg:s10], $0x2FFFF;
	_ =	strace $0x9FFFFFFF  }
0xc7: {  	(tm) =	ssettm $0x7FFFFFFF  }
tec
execute0_lowered:
.L_overlay_start_1:
0x0: {  	(tag) =	ssettag $0x1  }
0x1: {  	s0 =	rddreg [dreg:$0x0]  }
0x2: {  	s1 =	rddreg [dreg:$0x1]  }
0x3: {  	s2 =	srdreg.scid;
	s10 =	rddreg [dreg:$0x2]  }
0x4: {  	s3 =	stileid.u32;
	s4 =	rddreg [dreg:$0x3]  }
0x5: {  	s6 =	simm.s32 $0x0;
	s14 =	simm.s32 $0x6200;
	s28 =	simm.s32 $0x7A00  }
0x6: {  	s29 =	simm.s32 $0x3;
	s2 =	sand.u32 $0x1, s2;
	s3 =	sshll.u32 s3, $0x7  }
0x7: {  	[smem:$0x7FF] =	sst s6;
	s12 =	sadd.s32 $0x100, s1;
	s7 =	sshll.u32 s2, $0x6  }
0x8: {  	s13 =	sadd.s32 $0x200, s1;
	s2 =	ssub.s32 $0x2, s2;
	s5 =	sor.u32 s7, s3  }
0x9: {  	_ =	strace $0x80000047;
	s9 =	sshrl.u32 s2, $0x1;
	s3 =	sshll.u32 s5, $0x2  }
0xa: {  	s2 =	ssub.s32 s2, s9;
	s23 =	sshrl.u32 s5, $0x3;
	s26 =	sor.u32 $0x800, s5  }
0xb: {  	s30 =	sor.u32 $0x1000, s5;
	s17 =	sor.u32 $0x1800, s5;
	s9 =	simm.s32 $0x0  }
0xc: {  	s8 =	sand.u32 $0x1E00, s3;
	s3 =	sor.u32 s7, s3;
	[dreg:$0xa] =	wrdreg s23  }
0xd: {  	s24 =	smul.u32 $0x300, s23;
	s16 =	smov.u32 s26;
	s18 =	sshrl.u32 s26, $0x3  }
0xe: {  	s15 =	smov.u32 s30;
	s19 =	sshrl.u32 s30, $0x3;
	s20 =	sshrl.u32 s17, $0x3  }
0xf: {  	s31 =	smax.u32 s2, $0x1;
	s2 =	simm.s32 $0x9200;
	s8 =	sor.u32 s7, s8  }
0x10: {  	[dreg:$0xb] =	wrdreg s31;
	s8 =	sshrl.u32 s8, $0x3;
	s25 =	sadd.s32 s10, s24  }
0x11: {  	s3 =	sshrl.u32 s3, $0x3;
	s21 =	sadd.s32 s0, s8;
	[dreg:$0x9] =	wrdreg s25  }
0x12: {  	s22 =	sor.u32 $0x20, s3;
	[dreg:$0x5] =	wrdreg s21;
	s7 =	sadd.s32 $0x10, s21  }
0x13: {  	v0 =	vlaneseq.u32;
	s3 =	sor.u32 $0x30, s3;
	[dreg:$0x6] =	wrdreg s7;
	s7 =	sadd.s32 s0, s22  }
0x14: {  	v1 =	vshrl.u32 v0, $0x3;
	s25 =	simm.s32 $0x1;
	s0 =	sadd.s32 s0, s3;
	[dreg:$0x7] =	wrdreg s7  }
0x15: {  	vm0 =	vmmov $0xffff;
	v0 =	vand.u32 $0x7, v0;
	v1 =	vmul.u32 $0x8, v1;
	s8 =	simm.s32 $0xAA00;
	[dreg:$0x8] =	wrdreg s0;
	s7 =	simm.s32 $0x2  }
.LBB2_1:
0x16: {  	[dreg:$0xc] =	wrdreg s9  }
0x17: {  	s0 =	rddreg [dreg:$0x5]  }
0x18: {  	[tilespmem:s6], [sflag:$0x1] =	stream.linear.gather [hbm4b:s0+s6], $0x40, $0x38;
	[tilespmem:$0xF200] =	vst v63  }
0x19: {  	s9 =	rddreg [dreg:$0x6];
	s3 =	simm.s32 $0x80  }
0x1a: {  	[tilespmem:s3], [sflag:$0x1] =	stream.linear.gather [hbm4b:s9+s6], $0x40, $0x38;
	[tilespmem:$0xF200] =	vst v63  }
0x1b: {  	s10 =	rddreg [dreg:$0x7];
	s11 =	simm.s32 $0x100  }
0x1c: {  	[tilespmem:s11], [sflag:$0x1] =	stream.linear.gather [hbm4b:s10+s6], $0x40, $0x38;
	[tilespmem:$0xF200] =	vst v63  }
0x1d: {  	s21 =	rddreg [dreg:$0x8];
	s22 =	simm.s32 $0x180  }
0x1e: {  	[tilespmem:s22], [sflag:$0x1] =	stream.linear.gather [hbm4b:s21+s6], $0x40, $0x38;
	[tilespmem:$0xF200] =	vst v63  }
0x1f: {  	_ =	swait.ge [sflag:s25], $0x40  }
0x20: {  	[sflag:s25] =	ssyncset.done $0x0  }
0x21: {  	[sflag:s25] =	ssyncadd.s32 $0xFFFFFFC0  }
0x22: {  	_ =	swait.ge [sflag:s25], $0x40  }
0x23: {  	[sflag:s25] =	ssyncset.done $0x0  }
0x24: {  	[sflag:s25] =	ssyncadd.s32 $0xFFFFFFC0  }
0x25: {  	_ =	swait.ge [sflag:s25], $0x40  }
0x26: {  	[sflag:s25] =	ssyncset.done $0x0  }
0x27: {  	[sflag:s25] =	ssyncadd.s32 $0xFFFFFFC0  }
0x28: {  	_ =	swait.ge [sflag:s25], $0x40  }
0x29: {  	[sflag:s25] =	ssyncset.done $0x0  }
0x2a: {  	[sflag:s25] =	ssyncadd.s32 $0xFFFFFFC0  }
0x2b: {  	v2 =	vld.msk [tilespmem:$0x0], $0xff;
	_ =	sdelay $0x4  }
0x2c: {  	v3 =	vshrl.u32 v2, $0x3  }
0x2d: {  	v3 =	vmul.u32 $0x30, v3  }
0x2e: {  	v2 =	vand.u32 $0x7, v2  }
0x2f: {  	v2 =	vor.u32 v2, v3  }
0x30: {  	v2 =	vperm.xlane v2, v0;
	_ =	sdelay $0x1  }
0x31: {  	v2 =	vadd.s32 v1, v2;
	_ =	sdelay $0x3  }
0x32: {  	s23 =	simm.s32 $0x200  }
0x33: {  	[tilespmem:s23], [sflag:$0x1] =	stream.indirect_vreg.gather [hbm4b:s1+s6], $0x80, v2, vm0, $0xb8;
	[tilespmem:$0xF200] =	vst v63  }
0x34: {  	s24 =	simm.s32 $0xA00  }
0x35: {  	[tilespmem:s24], [sflag:$0x1] =	stream.indirect_vreg.gather [hbm4b:s12+s6], $0x80, v2, vm0, $0xb8;
	[tilespmem:$0xF200] =	vst v63  }
0x36: {  	s26 =	simm.s32 $0x1200  }
0x37: {  	[tilespmem:s26], [sflag:$0x1] =	stream.indirect_vreg.gather [hbm4b:s13+s6], $0x80, v2, vm0, $0xb8;
	[tilespmem:$0xF200] =	vst v63  }
0x38: {  	v2 =	vld.msk [tilespmem:$0x80], $0xff;
	_ =	sdelay $0x4  }
0x39: {  	v3 =	vshrl.u32 v2, $0x3  }
0x3a: {  	v3 =	vmul.u32 $0x30, v3  }
0x3b: {  	v2 =	vand.u32 $0x7, v2  }
0x3c: {  	v2 =	vor.u32 v2, v3  }
0x3d: {  	v2 =	vperm.xlane v2, v0;
	_ =	sdelay $0x1  }
0x3e: {  	v2 =	vadd.s32 v1, v2;
	_ =	sdelay $0x3  }
0x3f: {  	s30 =	simm.s32 $0x1A00  }
0x40: {  	[tilespmem:s30], [sflag:$0x1] =	stream.indirect_vreg.gather [hbm4b:s1+s6], $0x80, v2, vm0, $0xb8;
	[tilespmem:$0xF200] =	vst v63  }
0x41: {  	s3 =	simm.s32 $0x2200  }
0x42: {  	[tilespmem:s3], [sflag:$0x1] =	stream.indirect_vreg.gather [hbm4b:s12+s6], $0x80, v2, vm0, $0xb8;
	[tilespmem:$0xF200] =	vst v63  }
0x43: {  	s9 =	simm.s32 $0x2A00  }
0x44: {  	[tilespmem:s9], [sflag:$0x1] =	stream.indirect_vreg.gather [hbm4b:s13+s6], $0x80, v2, vm0, $0xb8;
	[tilespmem:$0xF200] =	vst v63  }
0x45: {  	v2 =	vld.msk [tilespmem:$0x100], $0xff;
	_ =	sdelay $0x4  }
0x46: {  	v3 =	vshrl.u32 v2, $0x3  }
0x47: {  	v3 =	vmul.u32 $0x30, v3  }
0x48: {  	v2 =	vand.u32 $0x7, v2  }
0x49: {  	v2 =	vor.u32 v2, v3  }
0x4a: {  	v2 =	vperm.xlane v2, v0;
	_ =	sdelay $0x1  }
0x4b: {  	v2 =	vadd.s32 v1, v2;
	_ =	sdelay $0x3  }
0x4c: {  	s10 =	simm.s32 $0x3200  }
0x4d: {  	[tilespmem:s10], [sflag:$0x1] =	stream.indirect_vreg.gather [hbm4b:s1+s6], $0x80, v2, vm0, $0xb8;
	[tilespmem:$0xF200] =	vst v63  }
0x4e: {  	s11 =	simm.s32 $0x3A00  }
0x4f: {  	[tilespmem:s11], [sflag:$0x1] =	stream.indirect_vreg.gather [hbm4b:s12+s6], $0x80, v2, vm0, $0xb8;
	[tilespmem:$0xF200] =	vst v63  }
0x50: {  	s21 =	simm.s32 $0x4200  }
0x51: {  	[tilespmem:s21], [sflag:$0x1] =	stream.indirect_vreg.gather [hbm4b:s13+s6], $0x80, v2, vm0, $0xb8;
	[tilespmem:$0xF200] =	vst v63  }
0x52: {  	v2 =	vld.msk [tilespmem:$0x180], $0xff;
	_ =	sdelay $0x4  }
0x53: {  	v3 =	vshrl.u32 v2, $0x3  }
0x54: {  	v3 =	vmul.u32 $0x30, v3  }
0x55: {  	v2 =	vand.u32 $0x7, v2  }
0x56: {  	v2 =	vor.u32 v2, v3  }
0x57: {  	v2 =	vperm.xlane v2, v0;
	_ =	sdelay $0x1  }
0x58: {  	v2 =	vadd.s32 v1, v2;
	_ =	sdelay $0x3  }
0x59: {  	s22 =	simm.s32 $0x4A00  }
0x5a: {  	[tilespmem:s22], [sflag:$0x1] =	stream.indirect_vreg.gather [hbm4b:s1+s6], $0x80, v2, vm0, $0xb8;
	[tilespmem:$0xF200] =	vst v63  }
0x5b: {  	s23 =	simm.s32 $0x5200  }
0x5c: {  	[tilespmem:s23], [sflag:$0x1] =	stream.indirect_vreg.gather [hbm4b:s12+s6], $0x80, v2, vm0, $0xb8;
	[tilespmem:$0xF200] =	vst v63  }
0x5d: {  	s24 =	simm.s32 $0x5A00  }
0x5e: {  	[tilespmem:s24], [sflag:$0x1] =	stream.indirect_vreg.gather [hbm4b:s13+s6], $0x80, v2, vm0, $0xb8;
	[tilespmem:$0xF200] =	vst v63  }
0x5f: {  	s31 =	simm.s32 $0x0;
	s26 =	rddreg [dreg:$0x9];
	s30 =	simm.s32 $0xC200  }
0x60: {  	[tilespmem:s30], [sflag:$0x1] =	stream.linear.gather [hbm4b:s26+s6], $0x1800, $0x38;
	[tilespmem:$0xF200] =	vst v63  }
.LBB2_2:
0x61: {  	p0 =	seq.s32 s31, $0x0  }
0x62: {  	s0 =	simm.s32 @!p0 $0x4  }
0x63: {  	_ =	swait.ge @!p0 [sflag:s0], $0x1800  }
0x64: {  	[sflag:s0] =	ssyncset.done @!p0 $0x0  }
0x65: {  	[sflag:s0] =	ssyncadd.s32 @!p0 $0xFFFFE800  }
0x66: {  	_ =	swait.ge @!p0 [sflag:s0], $0x1800  }
0x67: {  	[sflag:s0] =	ssyncset.done @!p0 $0x0  }
0x68: {  	[sflag:s0] =	ssyncadd.s32 @!p0 $0xFFFFE800  }
0x69: {  	_ =	swait.ge @!p0 [sflag:s0], $0x1800  }
0x6a: {  	[sflag:s0] =	ssyncset.done @!p0 $0x0  }
0x6b: {  	[sflag:s0] =	ssyncadd.s32 @!p0 $0xFFFFE800  }
0x6c: {  	_ =	swait.ge @!p0 [sflag:s0], $0x1800  }
0x6d: {  	s22 =	sshllo.u32 s31, $0x1;
	[sflag:s0] =	ssyncset.done @!p0 $0x0  }
0x6e: {  	s9 =	sshll.u32 s22, $0x3;
	[sflag:s0] =	ssyncadd.s32 @!p0 $0xFFFFE800  }
0x6f: {  	v2 =	vld.msk [tilespmem:s9+$0x0], $0xff;
	_ =	sdelay $0x4  }
0x70: {  	v3 =	vshrl.u32 v2, $0x3  }
0x71: {  	v3 =	vmul.u32 $0x30, v3  }
0x72: {  	v2 =	vand.u32 $0x7, v2  }
0x73: {  	v2 =	vor.u32 v2, v3  }
0x74: {  	v2 =	vperm.xlane v2, v0;
	_ =	sdelay $0x1  }
0x75: {  	v2 =	vadd.s32 v1, v2;
	_ =	sdelay $0x3  }
0x76: {  	s21 =	simm.s32 $0x0  }
0x77: {  	[tilespmem:s14], [sflag:$0x2] =	stream.indirect_vreg.gather [hbm4b:s1+s21], $0x80, v2, vm0, $0xb8;
	[tilespmem:$0xF200] =	vst v63  }
0x78: {  	s3 =	simm.s32 $0x6A00  }
0x79: {  	[tilespmem:s3], [sflag:$0x2] =	stream.indirect_vreg.gather [hbm4b:s12+s21], $0x80, v2, vm0, $0xb8;
	[tilespmem:$0xF200] =	vst v63  }
0x7a: {  	s10 =	simm.s32 $0x7200  }
0x7b: {  	[tilespmem:s10], [sflag:$0x2] =	stream.indirect_vreg.gather [hbm4b:s13+s21], $0x80, v2, vm0, $0xb8;
	[tilespmem:$0xF200] =	vst v63  }
0x7c: {  	v2 =	vld.msk [tilespmem:s9+$0x80], $0xff;
	_ =	sdelay $0x4  }
0x7d: {  	v3 =	vshrl.u32 v2, $0x3  }
0x7e: {  	v3 =	vmul.u32 $0x30, v3  }
0x7f: {  	v2 =	vand.u32 $0x7, v2  }
0x80: {  	v2 =	vor.u32 v2, v3  }
0x81: {  	v2 =	vperm.xlane v2, v0;
	_ =	sdelay $0x1  }
0x82: {  	v2 =	vadd.s32 v1, v2;
	_ =	sdelay $0x4  }
0x83: {  	[tilespmem:s28], [sflag:$0x2] =	stream.indirect_vreg.gather [hbm4b:s1+s21], $0x80, v2, vm0, $0xb8;
	[tilespmem:$0xF200] =	vst v63  }
0x84: {  	s11 =	simm.s32 $0x8200  }
0x85: {  	[tilespmem:s11], [sflag:$0x2] =	stream.indirect_vreg.gather [hbm4b:s12+s21], $0x80, v2, vm0, $0xb8;
	[tilespmem:$0xF200] =	vst v63  }
0x86: {  	s23 =	simm.s32 $0x8A00  }
0x87: {  	[tilespmem:s23], [sflag:$0x2] =	stream.indirect_vreg.gather [hbm4b:s13+s21], $0x80, v2, vm0, $0xb8;
	[tilespmem:$0xF200] =	vst v63  }
0x88: {  	v2 =	vld.msk [tilespmem:s9+$0x100], $0xff;
	_ =	sdelay $0x4  }
0x89: {  	v3 =	vshrl.u32 v2, $0x3  }
0x8a: {  	v3 =	vmul.u32 $0x30, v3  }
0x8b: {  	v2 =	vand.u32 $0x7, v2  }
0x8c: {  	v2 =	vor.u32 v2, v3  }
0x8d: {  	v2 =	vperm.xlane v2, v0;
	_ =	sdelay $0x1  }
0x8e: {  	v2 =	vadd.s32 v1, v2;
	_ =	sdelay $0x4  }
0x8f: {  	[tilespmem:s2], [sflag:$0x2] =	stream.indirect_vreg.gather [hbm4b:s1+s21], $0x80, v2, vm0, $0xb8;
	[tilespmem:$0xF200] =	vst v63  }
0x90: {  	s24 =	simm.s32 $0x9A00  }
0x91: {  	[tilespmem:s24], [sflag:$0x2] =	stream.indirect_vreg.gather [hbm4b:s12+s21], $0x80, v2, vm0, $0xb8;
	[tilespmem:$0xF200] =	vst v63  }
0x92: {  	s26 =	simm.s32 $0xA200  }
0x93: {  	[tilespmem:s26], [sflag:$0x2] =	stream.indirect_vreg.gather [hbm4b:s13+s21], $0x80, v2, vm0, $0xb8;
	[tilespmem:$0xF200] =	vst v63  }
0x94: {  	v2 =	vld.msk [tilespmem:s9+$0x180], $0xff;
	_ =	sdelay $0x4  }
0x95: {  	v3 =	vshrl.u32 v2, $0x3  }
0x96: {  	v3 =	vmul.u32 $0x30, v3  }
0x97: {  	v2 =	vand.u32 $0x7, v2  }
0x98: {  	v2 =	vor.u32 v2, v3  }
0x99: {  	v2 =	vperm.xlane v2, v0;
	_ =	sdelay $0x1  }
0x9a: {  	v2 =	vadd.s32 v1, v2;
	_ =	sdelay $0x3  }
0x9b: {  	s10 =	rddreg [dreg:$0xa]  }
0x9c: {  	[tilespmem:s8], [sflag:$0x2] =	stream.indirect_vreg.gather [hbm4b:s1+s21], $0x80, v2, vm0, $0xb8;
	[tilespmem:$0xF200] =	vst v63  }
0x9d: {  	s0 =	sor.u32 s10, s22;
	s9 =	simm.s32 $0xB200  }
0x9e: {  	[tilespmem:s9], [sflag:$0x2] =	stream.indirect_vreg.gather [hbm4b:s12+s21], $0x80, v2, vm0, $0xb8;
	[tilespmem:$0xF200] =	vst v63  }
0x9f: {  	s11 =	simm.s32 $0xBA00;
	s23 =	smul.u32 $0x300, s0;
	s24 =	rddreg [dreg:$0x2]  }
0xa0: {  	[tilespmem:s11], [sflag:$0x2] =	stream.indirect_vreg.gather [hbm4b:s13+s21], $0x80, v2, vm0, $0xb8;
	[tilespmem:$0xF200] =	vst v63  }
0xa1: {  	s0 =	sadd.s32 s24, s23;
	s26 =	simm.s32 $0xDA00  }
0xa2: {  	[tilespmem:s26], [sflag:$0x2] =	stream.linear.gather [hbm4b:s0+s21], $0x1800, $0x38;
	[tilespmem:$0xF200] =	vst v63  }
0xa3: {  	_ =	swait.ge [sflag:s25], $0x1800  }
0xa4: {  	[sflag:s25] =	ssyncset.done $0x0  }
0xa5: {  	[sflag:s25] =	ssyncadd.s32 $0xFFFFE800  }
0xa6: {  	_ =	swait.ge [sflag:s25], $0x1800  }
0xa7: {  	[sflag:s25] =	ssyncset.done $0x0  }
0xa8: {  	[sflag:s25] =	ssyncadd.s32 $0xFFFFE800  }
0xa9: {  	_ =	swait.ge [sflag:s25], $0x1800  }
0xaa: {  	[sflag:s25] =	ssyncset.done $0x0  }
0xab: {  	[sflag:s25] =	ssyncadd.s32 $0xFFFFE800  }
0xac: {  	_ =	swait.ge [sflag:s25], $0x1800  }
0xad: {  	[sflag:s25] =	ssyncset.done $0x0  }
0xae: {  	[sflag:s25] =	ssyncadd.s32 $0xFFFFE800  }
0xaf: {  	_ =	swait.ge [sflag:s25], $0x1800  }
0xb0: {  	s10 =	sand.u32 $0x1C00, s21;
	s9 =	sand.u32 $0x70, s21;
	[sflag:s25] =	ssyncset.done $0x0  }
0xb1: {  	s0 =	sor.u32 s9, s10;
	[sflag:s25] =	ssyncadd.s32 $0xFFFFE800  }
0xb2: {  	v2 =	vld [tilespmem:s0+$0xC200];
	_ =	sdelay $0x3  }
0xb3: {  	s3 =	sor.u32 $0x200, s0  }
0xb4: {  	[tilespmem:s3+$0x0] =	vst.add.f32.msk $0xffff, v2  }
0xb5: {  	v3 =	vld [tilespmem:s0+$0xC280];
	_ =	sdelay $0x1  }
0xb6: {  	[tilespmem:s0+$0x1A00] =	vst.add.f32.msk $0xffff, v2  }
0xb7: {  	[tilespmem:s0+$0x3200] =	vst.add.f32.msk $0xffff, v2  }
0xb8: {  	s11 =	sor.u32 $0x280, s0;
	[tilespmem:s0+$0x4A00] =	vst.add.f32.msk $0xffff, v2  }
0xb9: {  	[tilespmem:s11+$0x0] =	vst.add.f32.msk $0xffff, v3  }
0xba: {  	v2 =	vld [tilespmem:s0+$0xC300];
	_ =	sdelay $0x1  }
0xbb: {  	[tilespmem:s0+$0x1A80] =	vst.add.f32.msk $0xffff, v3  }
0xbc: {  	[tilespmem:s0+$0x3280] =	vst.add.f32.msk $0xffff, v3  }
0xbd: {  	s10 =	simm.s32 $0x10;
	s3 =	simm.s32 $0x80;
	s11 =	sor.u32 $0x300, s0;
	[tilespmem:s0+$0x4A80] =	vst.add.f32.msk $0xffff, v3  }
0xbe: {  	s26 =	sand.u32 $0x70, s10;
	s30 =	sand.u32 $0x1C00, s3;
	[tilespmem:s11+$0x0] =	vst.add.f32.msk $0xffff, v2  }
0xbf: {  	s11 =	sor.u32 s26, s30;
	v3 =	vld [tilespmem:s0+$0xC380]  }
0xc0: {  	v4 =	vld [tilespmem:s11+$0xC200]  }
0xc1: {  	[tilespmem:s0+$0x1B00] =	vst.add.f32.msk $0xffff, v2  }
0xc2: {  	[tilespmem:s0+$0x3300] =	vst.add.f32.msk $0xffff, v2  }
0xc3: {  	s24 =	sor.u32 $0x380, s0;
	[tilespmem:s0+$0x4B00] =	vst.add.f32.msk $0xffff, v2  }
0xc4: {  	s26 =	sor.u32 $0x200, s11;
	[tilespmem:s24+$0x0] =	vst.add.f32.msk $0xffff, v3  }
0xc5: {  	[tilespmem:s26+$0x0] =	vst.add.f32.msk $0xffff, v4  }
0xc6: {  	[tilespmem:s0+$0x1B80] =	vst.add.f32.msk $0xffff, v3  }
0xc7: {  	v2 =	vld [tilespmem:s0+$0xC400]  }
0xc8: {  	[tilespmem:s0+$0x3380] =	vst.add.f32.msk $0xffff, v3  }
0xc9: {  	[tilespmem:s0+$0x4B80] =	vst.add.f32.msk $0xffff, v3  }
0xca: {  	v3 =	vld [tilespmem:s0+$0xC480]  }
0xcb: {  	v5 =	vld [tilespmem:s0+$0xC500]  }
0xcc: {  	[tilespmem:s0+$0x400] =	vst.add.f32.msk $0xffff, v2  }
0xcd: {  	[tilespmem:s0+$0x1C00] =	vst.add.f32.msk $0xffff, v2  }
0xce: {  	[tilespmem:s0+$0x3400] =	vst.add.f32.msk $0xffff, v2  }
0xcf: {  	[tilespmem:s0+$0x4C00] =	vst.add.f32.msk $0xffff, v2  }
0xd0: {  	[tilespmem:s0+$0x480] =	vst.add.f32.msk $0xffff, v3  }
0xd1: {  	[tilespmem:s0+$0x1C80] =	vst.add.f32.msk $0xffff, v3  }
0xd2: {  	[tilespmem:s0+$0x3480] =	vst.add.f32.msk $0xffff, v3  }
0xd3: {  	[tilespmem:s0+$0x4C80] =	vst.add.f32.msk $0xffff, v3  }
0xd4: {  	[tilespmem:s0+$0x500] =	vst.add.f32.msk $0xffff, v5  }
0xd5: {  	[tilespmem:s0+$0x1D00] =	vst.add.f32.msk $0xffff, v5  }
0xd6: {  	s21 =	sor.u32 s21, s21;
	[tilespmem:s0+$0x3500] =	vst.add.f32.msk $0xffff, v5  }
0xd7: {  	s21 =	sor.u32 $0x380, s21;
	[tilespmem:s0+$0x4D00] =	vst.add.f32.msk $0xffff, v5  }
0xd8: {  	v2 =	vld [tilespmem:s21+$0xC200]  }
0xd9: {  	v3 =	vld [tilespmem:s11+$0xC280]  }
0xda: {  	[tilespmem:s11+$0x1A00] =	vst.add.f32.msk $0xffff, v4  }
0xdb: {  	[tilespmem:s11+$0x3200] =	vst.add.f32.msk $0xffff, v4  }
0xdc: {  	[tilespmem:s11+$0x4A00] =	vst.add.f32.msk $0xffff, v4  }
0xdd: {  	s30 =	simm.s32 $0x20;
	s26 =	simm.s32 $0x80;
	s0 =	sor.u32 $0x280, s11;
	[tilespmem:s21+$0x4A00] =	vst.add.f32.msk $0xffff, v2  }
.LBB2_3:
0xde: {  	p0 =	sne.s32 s30, $0x2F0;
	[tilespmem:s0+$0x0] =	vst.add.f32.msk $0xffff, v3  }
0xdf: {  	v4 =	vld [tilespmem:s11+$0xC300]  }
0xe0: {  	[tilespmem:s21+$0x200] =	vst.add.f32.msk $0xffff, v2  }
0xe1: {  	[tilespmem:s11+$0x1A80] =	vst.add.f32.msk $0xffff, v3  }
0xe2: {  	[tilespmem:s11+$0x3280] =	vst.add.f32.msk $0xffff, v3  }
0xe3: {  	s0 =	sor.u32 $0x300, s11;
	s3 =	sadd.s32 $0x80, s3;
	[tilespmem:s11+$0x4A80] =	vst.add.f32.msk $0xffff, v3  }
0xe4: {  	s24 =	sand.u32 $0x70, s30;
	s9 =	sand.u32 $0x1C00, s3;
	[tilespmem:s0+$0x0] =	vst.add.f32.msk $0xffff, v4  }
0xe5: {  	s0 =	sor.u32 s24, s9;
	v3 =	vld [tilespmem:s11+$0xC380]  }
0xe6: {  	v5 =	vld [tilespmem:s0+$0xC200]  }
0xe7: {  	[tilespmem:s11+$0x1B00] =	vst.add.f32.msk $0xffff, v4  }
0xe8: {  	[tilespmem:s11+$0x3300] =	vst.add.f32.msk $0xffff, v4  }
0xe9: {  	s9 =	sor.u32 $0x380, s11;
	[tilespmem:s11+$0x4B00] =	vst.add.f32.msk $0xffff, v4  }
0xea: {  	[tilespmem:s9+$0x0] =	vst.add.f32.msk $0xffff, v3  }
0xeb: {  	[tilespmem:s11+$0x1B80] =	vst.add.f32.msk $0xffff, v3  }
0xec: {  	v4 =	vld [tilespmem:s11+$0xC400]  }
0xed: {  	[tilespmem:s11+$0x3380] =	vst.add.f32.msk $0xffff, v3  }
0xee: {  	[tilespmem:s11+$0x4B80] =	vst.add.f32.msk $0xffff, v3  }
0xef: {  	v3 =	vld [tilespmem:s11+$0xC480]  }
0xf0: {  	v6 =	vld [tilespmem:s11+$0xC500]  }
0xf1: {  	[tilespmem:s11+$0x400] =	vst.add.f32.msk $0xffff, v4  }
0xf2: {  	[tilespmem:s11+$0x1C00] =	vst.add.f32.msk $0xffff, v4  }
0xf3: {  	[tilespmem:s11+$0x3400] =	vst.add.f32.msk $0xffff, v4  }
0xf4: {  	[tilespmem:s11+$0x4C00] =	vst.add.f32.msk $0xffff, v4  }
0xf5: {  	[tilespmem:s11+$0x480] =	vst.add.f32.msk $0xffff, v3  }
0xf6: {  	[tilespmem:s11+$0x1C80] =	vst.add.f32.msk $0xffff, v3  }
0xf7: {  	[tilespmem:s11+$0x3480] =	vst.add.f32.msk $0xffff, v3  }
0xf8: {  	[tilespmem:s11+$0x4C80] =	vst.add.f32.msk $0xffff, v3  }
0xf9: {  	[tilespmem:s11+$0x500] =	vst.add.f32.msk $0xffff, v6  }
0xfa: {  	[tilespmem:s11+$0x1D00] =	vst.add.f32.msk $0xffff, v6  }
0xfb: {  	s9 =	sor.u32 s26, s10;
	s26 =	smov.u32 s3;
	s10 =	smov.u32 s30;
	[tilespmem:s11+$0x3500] =	vst.add.f32.msk $0xffff, v6  }
0xfc: {  	s9 =	sor.u32 $0x380, s9;
	[tilespmem:s11+$0x4D00] =	vst.add.f32.msk $0xffff, v6;
	s11 =	smov.u32 s0  }
0xfd: {  	v4 =	vld [tilespmem:s9+$0xC200]  }
0xfe: {  	[tilespmem:s21+$0x1A00] =	vst.add.f32.msk $0xffff, v2  }
0xff: {  	s0 =	sor.u32 $0x200, s11;
	[tilespmem:s21+$0x3200] =	vst.add.f32.msk $0xffff, v2;
	s21 =	smov.u32 s9  }
0x100: {  	[tilespmem:s0+$0x0] =	vst.add.f32.msk $0xffff, v5  }
.Ltmp0:
0x101: {  	v3 =	vld [tilespmem:s11+$0xC280];
	(pc) =	sbr.rel @p0 .LBB2_3-.Ltmp0, $4  }
0x102: {  	[tilespmem:s21+$0x4A00] =	vst.add.f32.msk $0xffff, v4;
	v2 =	vmov v4  }
0x103: {  	[tilespmem:s11+$0x1A00] =	vst.add.f32.msk $0xffff, v5  }
0x104: {  	[tilespmem:s11+$0x3200] =	vst.add.f32.msk $0xffff, v5  }
0x105: {  	s30 =	sadd.s32 $0x10, s30;
	s0 =	sor.u32 $0x280, s11;
	[tilespmem:s11+$0x4A00] =	vst.add.f32.msk $0xffff, v5  }
0x106: {  	[tilespmem:s0+$0x0] =	vst.add.f32.msk $0xffff, v3  }
0x107: {  	v4 =	vld [tilespmem:s11+$0xC300];
	_ =	sdelay $0x1  }
0x108: {  	[tilespmem:s11+$0x1A80] =	vst.add.f32.msk $0xffff, v3  }
0x109: {  	[tilespmem:s11+$0x3280] =	vst.add.f32.msk $0xffff, v3  }
0x10a: {  	s3 =	sor.u32 $0x300, s11;
	[tilespmem:s11+$0x4A80] =	vst.add.f32.msk $0xffff, v3  }
0x10b: {  	[tilespmem:s3+$0x0] =	vst.add.f32.msk $0xffff, v4  }
0x10c: {  	v3 =	vld [tilespmem:s11+$0xC380];
	_ =	sdelay $0x1  }
0x10d: {  	[tilespmem:s11+$0x1B00] =	vst.add.f32.msk $0xffff, v4  }
0x10e: {  	[tilespmem:s11+$0x3300] =	vst.add.f32.msk $0xffff, v4  }
0x10f: {  	s9 =	sor.u32 $0x380, s11;
	[tilespmem:s11+$0x4B00] =	vst.add.f32.msk $0xffff, v4  }
0x110: {  	[tilespmem:s9+$0x0] =	vst.add.f32.msk $0xffff, v3  }
0x111: {  	[tilespmem:s11+$0x1B80] =	vst.add.f32.msk $0xffff, v3  }
0x112: {  	v63 =	vld [tilespmem:s11+$0xC400]  }
0x113: {  	[tilespmem:s11+$0x3380] =	vst.add.f32.msk $0xffff, v3  }
0x114: {  	[tilespmem:s11+$0x4B80] =	vst.add.f32.msk $0xffff, v3  }
0x115: {  	v3 =	vld [tilespmem:s11+$0xC480]  }
0x116: {  	v5 =	vld [tilespmem:s11+$0xC500]  }
0x117: {  	[tilespmem:s11+$0x400] =	vst.add.f32.msk $0xffff, v63  }
0x118: {  	[tilespmem:s11+$0x1C00] =	vst.add.f32.msk $0xffff, v63  }
0x119: {  	[tilespmem:s11+$0x3400] =	vst.add.f32.msk $0xffff, v63  }
0x11a: {  	[tilespmem:s11+$0x4C00] =	vst.add.f32.msk $0xffff, v63  }
0x11b: {  	[tilespmem:s11+$0x480] =	vst.add.f32.msk $0xffff, v3  }
0x11c: {  	[tilespmem:s11+$0x1C80] =	vst.add.f32.msk $0xffff, v3  }
0x11d: {  	[tilespmem:s11+$0x3480] =	vst.add.f32.msk $0xffff, v3  }
0x11e: {  	[tilespmem:s11+$0x4C80] =	vst.add.f32.msk $0xffff, v3  }
0x11f: {  	[tilespmem:s11+$0x500] =	vst.add.f32.msk $0xffff, v5  }
0x120: {  	[tilespmem:s11+$0x1D00] =	vst.add.f32.msk $0xffff, v5  }
0x121: {  	s10 =	sor.u32 s26, s10;
	[tilespmem:s11+$0x3500] =	vst.add.f32.msk $0xffff, v5  }
0x122: {  	s0 =	sor.u32 $0x380, s10;
	[tilespmem:s11+$0x4D00] =	vst.add.f32.msk $0xffff, v5  }
0x123: {  	v3 =	vld [tilespmem:s0+$0xC200];
	_ =	sdelay $0x1  }
0x124: {  	[tilespmem:s21+$0x200] =	vst.add.f32.msk $0xffff, v2;
	s3 =	sshll.u32 s31, $0x4  }
0x125: {  	[tilespmem:s21+$0x1A00] =	vst.add.f32.msk $0xffff, v2;
	s9 =	sor.u32 s5, s3  }
0x126: {  	[tilespmem:s21+$0x3200] =	vst.add.f32.msk $0xffff, v2;
	s9 =	sshrl.u32 s9, $0x3  }
0x127: {  	s9 =	smul.u32 $0x300, s9;
	[tilespmem:s0+$0x4A00] =	vst.add.f32.msk $0xffff, v3  }
0x128: {  	s26 =	simm.s32 $0x200;
	p0 =	seq.s32 s31, $0x3;
	s11 =	sor.u32 s16, s3;
	[tilespmem:s0+$0x200] =	vst.add.f32.msk $0xffff, v3  }
0x129: {  	s30 =	sor.u32 s15, s3;
	s21 =	sadd.s32 s4, s9;
	s10 =	sshrl.u32 s11, $0x3;
	[tilespmem:s0+$0x1A00] =	vst.add.f32.msk $0xffff, v3  }
0x12a: {  	s11 =	simm.s32 $0x1A00;
	s24 =	smul.u32 $0x300, s10;
	[tilespmem:s0+$0x3200] =	vst.add.f32.msk $0xffff, v3;
	s0 =	sshrl.u32 s30, $0x3  }
0x12b: {  	[hbm4b:s21+s6] =	stream.linear.scatter [tilespmem:s26], [sflag:$0x3], $0x1800, $0x38;
	[tilespmem:$0xF200] =	vst v63  }
0x12c: {  	s9 =	sadd.s32 s4, s24;
	s21 =	sor.u32 s17, s3;
	s0 =	smul.u32 $0x300, s0  }
0x12d: {  	[hbm4b:s9+s6] =	stream.linear.scatter [tilespmem:s11], [sflag:$0x3], $0x1800, $0x38;
	[tilespmem:$0xF200] =	vst v63  }
.Ltmp1:
0x12e: {  	s9 =	sshrl.u32 s21, $0x3;
	(pc) =	sbr.rel @p0 .LBB2_6-.Ltmp1, $4  }
0x12f: {  	s24 =	simm.s32 $0x3200;
	s0 =	sadd.s32 s4, s0;
	s9 =	smul.u32 $0x300, s9  }
0x130: {  	[hbm4b:s0+s6] =	stream.linear.scatter [tilespmem:s24], [sflag:$0x3], $0x1800, $0x38;
	[tilespmem:$0xF200] =	vst v63  }
0x131: {  	s30 =	simm.s32 $0x4A00;
	s26 =	sadd.s32 s4, s9  }
0x132: {  	[hbm4b:s26+s6] =	stream.linear.scatter [tilespmem:s30], [sflag:$0x3], $0x1800, $0x38;
	[tilespmem:$0xF200] =	vst v63  }
0x133: {  	_ =	swait.ge [sflag:s29], $0x1800  }
0x134: {  	[sflag:s29] =	ssyncset.done $0x0  }
0x135: {  	[sflag:s29] =	ssyncadd.s32 $0xFFFFE800  }
0x136: {  	_ =	swait.ge [sflag:s29], $0x1800  }
0x137: {  	[sflag:s29] =	ssyncset.done $0x0  }
0x138: {  	[sflag:s29] =	ssyncadd.s32 $0xFFFFE800  }
0x139: {  	_ =	swait.ge [sflag:s29], $0x1800  }
0x13a: {  	[sflag:s29] =	ssyncset.done $0x0  }
0x13b: {  	[sflag:s29] =	ssyncadd.s32 $0xFFFFE800  }
0x13c: {  	_ =	swait.ge [sflag:s29], $0x1800  }
0x13d: {  	[sflag:s29] =	ssyncset.done $0x0  }
0x13e: {  	[sflag:s29] =	ssyncadd.s32 $0xFFFFE800  }
0x13f: {  	v2 =	vld.msk [tilespmem:s3+$0x10], $0xff;
	_ =	sdelay $0x4  }
0x140: {  	v3 =	vshrl.u32 v2, $0x3  }
0x141: {  	v3 =	vmul.u32 $0x30, v3  }
0x142: {  	v2 =	vand.u32 $0x7, v2  }
0x143: {  	v2 =	vor.u32 v2, v3  }
0x144: {  	v2 =	vperm.xlane v2, v0;
	_ =	sdelay $0x1  }
0x145: {  	v2 =	vadd.s32 v1, v2;
	_ =	sdelay $0x3  }
0x146: {  	s0 =	simm.s32 $0x200  }
0x147: {  	[tilespmem:s0], [sflag:$0x1] =	stream.indirect_vreg.gather [hbm4b:s1+s6], $0x80, v2, vm0, $0xb8;
	[tilespmem:$0xF200] =	vst v63  }
0x148: {  	s9 =	simm.s32 $0xA00  }
0x149: {  	[tilespmem:s9], [sflag:$0x1] =	stream.indirect_vreg.gather [hbm4b:s12+s6], $0x80, v2, vm0, $0xb8;
	[tilespmem:$0xF200] =	vst v63  }
0x14a: {  	s10 =	simm.s32 $0x1200  }
0x14b: {  	[tilespmem:s10], [sflag:$0x1] =	stream.indirect_vreg.gather [hbm4b:s13+s6], $0x80, v2, vm0, $0xb8;
	[tilespmem:$0xF200] =	vst v63  }
0x14c: {  	v2 =	vld.msk [tilespmem:s3+$0x90], $0xff;
	_ =	sdelay $0x4  }
0x14d: {  	v3 =	vshrl.u32 v2, $0x3  }
0x14e: {  	v3 =	vmul.u32 $0x30, v3  }
0x14f: {  	v2 =	vand.u32 $0x7, v2  }
0x150: {  	v2 =	vor.u32 v2, v3  }
0x151: {  	v2 =	vperm.xlane v2, v0;
	_ =	sdelay $0x1  }
0x152: {  	v2 =	vadd.s32 v1, v2;
	_ =	sdelay $0x3  }
0x153: {  	s11 =	simm.s32 $0x1A00  }
0x154: {  	[tilespmem:s11], [sflag:$0x1] =	stream.indirect_vreg.gather [hbm4b:s1+s6], $0x80, v2, vm0, $0xb8;
	[tilespmem:$0xF200] =	vst v63  }
0x155: {  	s21 =	simm.s32 $0x2200  }
0x156: {  	[tilespmem:s21], [sflag:$0x1] =	stream.indirect_vreg.gather [hbm4b:s12+s6], $0x80, v2, vm0, $0xb8;
	[tilespmem:$0xF200] =	vst v63  }
0x157: {  	s24 =	simm.s32 $0x2A00  }
0x158: {  	[tilespmem:s24], [sflag:$0x1] =	stream.indirect_vreg.gather [hbm4b:s13+s6], $0x80, v2, vm0, $0xb8;
	[tilespmem:$0xF200] =	vst v63  }
0x159: {  	v2 =	vld.msk [tilespmem:s3+$0x110], $0xff;
	_ =	sdelay $0x4  }
0x15a: {  	v3 =	vshrl.u32 v2, $0x3  }
0x15b: {  	v3 =	vmul.u32 $0x30, v3  }
0x15c: {  	v2 =	vand.u32 $0x7, v2  }
0x15d: {  	v2 =	vor.u32 v2, v3  }
0x15e: {  	v2 =	vperm.xlane v2, v0;
	_ =	sdelay $0x1  }
0x15f: {  	v2 =	vadd.s32 v1, v2;
	_ =	sdelay $0x3  }
0x160: {  	s26 =	simm.s32 $0x3200  }
0x161: {  	[tilespmem:s26], [sflag:$0x1] =	stream.indirect_vreg.gather [hbm4b:s1+s6], $0x80, v2, vm0, $0xb8;
	[tilespmem:$0xF200] =	vst v63  }
0x162: {  	s30 =	simm.s32 $0x3A00  }
0x163: {  	[tilespmem:s30], [sflag:$0x1] =	stream.indirect_vreg.gather [hbm4b:s12+s6], $0x80, v2, vm0, $0xb8;
	[tilespmem:$0xF200] =	vst v63  }
0x164: {  	s9 =	simm.s32 $0x4200  }
0x165: {  	[tilespmem:s9], [sflag:$0x1] =	stream.indirect_vreg.gather [hbm4b:s13+s6], $0x80, v2, vm0, $0xb8;
	[tilespmem:$0xF200] =	vst v63  }
0x166: {  	v2 =	vld.msk [tilespmem:s3+$0x190], $0xff;
	_ =	sdelay $0x4  }
0x167: {  	v3 =	vshrl.u32 v2, $0x3  }
0x168: {  	v3 =	vmul.u32 $0x30, v3  }
0x169: {  	v2 =	vand.u32 $0x7, v2  }
0x16a: {  	v2 =	vor.u32 v2, v3  }
0x16b: {  	v2 =	vperm.xlane v2, v0;
	_ =	sdelay $0x1  }
0x16c: {  	v2 =	vadd.s32 v1, v2;
	_ =	sdelay $0x2  }
0x16d: {  	s11 =	sadd.s32 $0x10, s3  }
0x16e: {  	s10 =	simm.s32 $0x4A00;
	s0 =	sadd.s32 s5, s11  }
0x16f: {  	[tilespmem:s10], [sflag:$0x1] =	stream.indirect_vreg.gather [hbm4b:s1+s6], $0x80, v2, vm0, $0xb8;
	[tilespmem:$0xF200] =	vst v63  }
0x170: {  	s21 =	simm.s32 $0x5200;
	s0 =	sshrl.u32 s0, $0x3  }
0x171: {  	[tilespmem:s21], [sflag:$0x1] =	stream.indirect_vreg.gather [hbm4b:s12+s6], $0x80, v2, vm0, $0xb8;
	[tilespmem:$0xF200] =	vst v63  }
0x172: {  	s0 =	smul.u32 $0x300, s0;
	s24 =	simm.s32 $0x5A00;
	s26 =	rddreg [dreg:$0x2]  }
0x173: {  	[tilespmem:s24], [sflag:$0x1] =	stream.indirect_vreg.gather [hbm4b:s13+s6], $0x80, v2, vm0, $0xb8;
	[tilespmem:$0xF200] =	vst v63  }
0x174: {  	s0 =	sadd.s32 s26, s0;
	s30 =	simm.s32 $0xC200  }
0x175: {  	[tilespmem:s30], [sflag:$0x1] =	stream.linear.gather [hbm4b:s0+s6], $0x1800, $0x38;
	[tilespmem:$0xF200] =	vst v63  }
.LBB2_6:
0x176: {  	_ =	swait.ge [sflag:s7], $0x1800  }
0x177: {  	[sflag:s7] =	ssyncset.done $0x0  }
0x178: {  	[sflag:s7] =	ssyncadd.s32 $0xFFFFE800  }
0x179: {  	_ =	swait.ge [sflag:s7], $0x1800  }
0x17a: {  	[sflag:s7] =	ssyncset.done $0x0  }
0x17b: {  	[sflag:s7] =	ssyncadd.s32 $0xFFFFE800  }
0x17c: {  	_ =	swait.ge [sflag:s7], $0x1800  }
0x17d: {  	[sflag:s7] =	ssyncset.done $0x0  }
0x17e: {  	[sflag:s7] =	ssyncadd.s32 $0xFFFFE800  }
0x17f: {  	_ =	swait.ge [sflag:s7], $0x1800  }
0x180: {  	[sflag:s7] =	ssyncset.done $0x0  }
0x181: {  	[sflag:s7] =	ssyncadd.s32 $0xFFFFE800  }
0x182: {  	s0 =	simm.s32 $0x0;
	_ =	swait.ge [sflag:s7], $0x1800  }
0x183: {  	s3 =	sand.u32 $0x70, s0;
	s9 =	sand.u32 $0x1C00, s0;
	[sflag:s7] =	ssyncset.done $0x0  }
0x184: {  	s9 =	sor.u32 s3, s9;
	[sflag:s7] =	ssyncadd.s32 $0xFFFFE800  }
0x185: {  	v2 =	vld [tilespmem:s9+$0xDA00];
	_ =	sdelay $0x3  }
0x186: {  	s3 =	sor.u32 $0x6200, s9  }
0x187: {  	[tilespmem:s3+$0x0] =	vst.add.f32.msk $0xffff, v2  }
0x188: {  	v3 =	vld [tilespmem:s9+$0xDA80];
	_ =	sdelay $0x1  }
0x189: {  	[tilespmem:s9+$0x7A00] =	vst.add.f32.msk $0xffff, v2  }
0x18a: {  	[tilespmem:s9+$0x9200] =	vst.add.f32.msk $0xffff, v2  }
0x18b: {  	s21 =	sor.u32 $0x6280, s9;
	[tilespmem:s9+$0xAA00] =	vst.add.f32.msk $0xffff, v2  }
0x18c: {  	[tilespmem:s21+$0x0] =	vst.add.f32.msk $0xffff, v3  }
0x18d: {  	v2 =	vld [tilespmem:s9+$0xDB00];
	_ =	sdelay $0x1  }
0x18e: {  	[tilespmem:s9+$0x7A80] =	vst.add.f32.msk $0xffff, v3  }
0x18f: {  	[tilespmem:s9+$0x9280] =	vst.add.f32.msk $0xffff, v3  }
0x190: {  	s10 =	simm.s32 $0x10;
	s11 =	sor.u32 $0x6300, s9;
	s3 =	simm.s32 $0x80;
	[tilespmem:s9+$0xAA80] =	vst.add.f32.msk $0xffff, v3  }
0x191: {  	s24 =	sand.u32 $0x1C00, s3;
	s21 =	sand.u32 $0x70, s10;
	[tilespmem:s11+$0x0] =	vst.add.f32.msk $0xffff, v2  }
0x192: {  	s11 =	sor.u32 s21, s24;
	v3 =	vld [tilespmem:s9+$0xDB80]  }
0x193: {  	v4 =	vld [tilespmem:s11+$0xDA00]  }
0x194: {  	[tilespmem:s9+$0x7B00] =	vst.add.f32.msk $0xffff, v2  }
0x195: {  	[tilespmem:s9+$0x9300] =	vst.add.f32.msk $0xffff, v2  }
0x196: {  	s24 =	sor.u32 $0x6380, s9;
	[tilespmem:s9+$0xAB00] =	vst.add.f32.msk $0xffff, v2  }
0x197: {  	s26 =	sor.u32 $0x6200, s11;
	[tilespmem:s24+$0x0] =	vst.add.f32.msk $0xffff, v3  }
0x198: {  	[tilespmem:s26+$0x0] =	vst.add.f32.msk $0xffff, v4  }
0x199: {  	[tilespmem:s9+$0x7B80] =	vst.add.f32.msk $0xffff, v3  }
0x19a: {  	v2 =	vld [tilespmem:s9+$0xDC00]  }
0x19b: {  	[tilespmem:s9+$0x9380] =	vst.add.f32.msk $0xffff, v3  }
0x19c: {  	[tilespmem:s9+$0xAB80] =	vst.add.f32.msk $0xffff, v3  }
0x19d: {  	v3 =	vld [tilespmem:s9+$0xDC80]  }
0x19e: {  	v5 =	vld [tilespmem:s9+$0xDD00]  }
0x19f: {  	[tilespmem:s9+$0x6400] =	vst.add.f32.msk $0xffff, v2  }
0x1a0: {  	[tilespmem:s9+$0x7C00] =	vst.add.f32.msk $0xffff, v2  }
0x1a1: {  	[tilespmem:s9+$0x9400] =	vst.add.f32.msk $0xffff, v2  }
0x1a2: {  	[tilespmem:s9+$0xAC00] =	vst.add.f32.msk $0xffff, v2  }
0x1a3: {  	[tilespmem:s9+$0x6480] =	vst.add.f32.msk $0xffff, v3  }
0x1a4: {  	[tilespmem:s9+$0x7C80] =	vst.add.f32.msk $0xffff, v3  }
0x1a5: {  	[tilespmem:s9+$0x9480] =	vst.add.f32.msk $0xffff, v3  }
0x1a6: {  	[tilespmem:s9+$0xAC80] =	vst.add.f32.msk $0xffff, v3  }
0x1a7: {  	[tilespmem:s9+$0x6500] =	vst.add.f32.msk $0xffff, v5  }
0x1a8: {  	[tilespmem:s9+$0x7D00] =	vst.add.f32.msk $0xffff, v5  }
0x1a9: {  	s0 =	sor.u32 s0, s0;
	[tilespmem:s9+$0x9500] =	vst.add.f32.msk $0xffff, v5  }
0x1aa: {  	s21 =	sor.u32 $0x380, s0;
	[tilespmem:s9+$0xAD00] =	vst.add.f32.msk $0xffff, v5  }
0x1ab: {  	v2 =	vld [tilespmem:s21+$0xDA00]  }
0x1ac: {  	v3 =	vld [tilespmem:s11+$0xDA80]  }
0x1ad: {  	[tilespmem:s11+$0x7A00] =	vst.add.f32.msk $0xffff, v4  }
0x1ae: {  	[tilespmem:s11+$0x9200] =	vst.add.f32.msk $0xffff, v4  }
0x1af: {  	[tilespmem:s11+$0xAA00] =	vst.add.f32.msk $0xffff, v4  }
0x1b0: {  	s30 =	simm.s32 $0x20;
	s0 =	sor.u32 $0x6280, s11;
	s26 =	simm.s32 $0x80;
	[tilespmem:s21+$0xAA00] =	vst.add.f32.msk $0xffff, v2  }
.LBB2_7:
0x1b1: {  	p0 =	sne.s32 s30, $0x2F0;
	[tilespmem:s0+$0x0] =	vst.add.f32.msk $0xffff, v3  }
0x1b2: {  	v4 =	vld [tilespmem:s11+$0xDB00]  }
0x1b3: {  	[tilespmem:s21+$0x6200] =	vst.add.f32.msk $0xffff, v2  }
0x1b4: {  	[tilespmem:s11+$0x7A80] =	vst.add.f32.msk $0xffff, v3  }
0x1b5: {  	[tilespmem:s11+$0x9280] =	vst.add.f32.msk $0xffff, v3  }
0x1b6: {  	s0 =	sor.u32 $0x6300, s11;
	s3 =	sadd.s32 $0x80, s3;
	[tilespmem:s11+$0xAA80] =	vst.add.f32.msk $0xffff, v3  }
0x1b7: {  	s9 =	sand.u32 $0x70, s30;
	s24 =	sand.u32 $0x1C00, s3;
	[tilespmem:s0+$0x0] =	vst.add.f32.msk $0xffff, v4  }
0x1b8: {  	s0 =	sor.u32 s9, s24;
	v3 =	vld [tilespmem:s11+$0xDB80]  }
0x1b9: {  	v5 =	vld [tilespmem:s0+$0xDA00]  }
0x1ba: {  	[tilespmem:s11+$0x7B00] =	vst.add.f32.msk $0xffff, v4  }
0x1bb: {  	[tilespmem:s11+$0x9300] =	vst.add.f32.msk $0xffff, v4  }
0x1bc: {  	s9 =	sor.u32 $0x6380, s11;
	[tilespmem:s11+$0xAB00] =	vst.add.f32.msk $0xffff, v4  }
0x1bd: {  	[tilespmem:s9+$0x0] =	vst.add.f32.msk $0xffff, v3  }
0x1be: {  	[tilespmem:s11+$0x7B80] =	vst.add.f32.msk $0xffff, v3  }
0x1bf: {  	v4 =	vld [tilespmem:s11+$0xDC00]  }
0x1c0: {  	[tilespmem:s11+$0x9380] =	vst.add.f32.msk $0xffff, v3  }
0x1c1: {  	[tilespmem:s11+$0xAB80] =	vst.add.f32.msk $0xffff, v3  }
0x1c2: {  	v3 =	vld [tilespmem:s11+$0xDC80]  }
0x1c3: {  	v6 =	vld [tilespmem:s11+$0xDD00]  }
0x1c4: {  	[tilespmem:s11+$0x6400] =	vst.add.f32.msk $0xffff, v4  }
0x1c5: {  	[tilespmem:s11+$0x7C00] =	vst.add.f32.msk $0xffff, v4  }
0x1c6: {  	[tilespmem:s11+$0x9400] =	vst.add.f32.msk $0xffff, v4  }
0x1c7: {  	[tilespmem:s11+$0xAC00] =	vst.add.f32.msk $0xffff, v4  }
0x1c8: {  	[tilespmem:s11+$0x6480] =	vst.add.f32.msk $0xffff, v3  }
0x1c9: {  	[tilespmem:s11+$0x7C80] =	vst.add.f32.msk $0xffff, v3  }
0x1ca: {  	[tilespmem:s11+$0x9480] =	vst.add.f32.msk $0xffff, v3  }
0x1cb: {  	[tilespmem:s11+$0xAC80] =	vst.add.f32.msk $0xffff, v3  }
0x1cc: {  	[tilespmem:s11+$0x6500] =	vst.add.f32.msk $0xffff, v6  }
0x1cd: {  	[tilespmem:s11+$0x7D00] =	vst.add.f32.msk $0xffff, v6  }
0x1ce: {  	s9 =	sor.u32 s26, s10;
	s26 =	smov.u32 s3;
	s10 =	smov.u32 s30;
	[tilespmem:s11+$0x9500] =	vst.add.f32.msk $0xffff, v6  }
0x1cf: {  	s9 =	sor.u32 $0x380, s9;
	[tilespmem:s11+$0xAD00] =	vst.add.f32.msk $0xffff, v6;
	s11 =	smov.u32 s0  }
0x1d0: {  	v4 =	vld [tilespmem:s9+$0xDA00]  }
0x1d1: {  	[tilespmem:s21+$0x7A00] =	vst.add.f32.msk $0xffff, v2  }
0x1d2: {  	s0 =	sor.u32 $0x6200, s11;
	[tilespmem:s21+$0x9200] =	vst.add.f32.msk $0xffff, v2;
	s21 =	smov.u32 s9  }
0x1d3: {  	[tilespmem:s0+$0x0] =	vst.add.f32.msk $0xffff, v5  }
.Ltmp2:
0x1d4: {  	v3 =	vld [tilespmem:s11+$0xDA80];
	(pc) =	sbr.rel @p0 .LBB2_7-.Ltmp2, $4  }
0x1d5: {  	[tilespmem:s21+$0xAA00] =	vst.add.f32.msk $0xffff, v4;
	v2 =	vmov v4  }
0x1d6: {  	[tilespmem:s11+$0x7A00] =	vst.add.f32.msk $0xffff, v5  }
0x1d7: {  	[tilespmem:s11+$0x9200] =	vst.add.f32.msk $0xffff, v5  }
0x1d8: {  	s30 =	sadd.s32 $0x10, s30;
	s0 =	sor.u32 $0x6280, s11;
	[tilespmem:s11+$0xAA00] =	vst.add.f32.msk $0xffff, v5  }
0x1d9: {  	[tilespmem:s0+$0x0] =	vst.add.f32.msk $0xffff, v3  }
0x1da: {  	v4 =	vld [tilespmem:s11+$0xDB00];
	_ =	sdelay $0x1  }
0x1db: {  	[tilespmem:s11+$0x7A80] =	vst.add.f32.msk $0xffff, v3  }
0x1dc: {  	[tilespmem:s11+$0x9280] =	vst.add.f32.msk $0xffff, v3  }
0x1dd: {  	s3 =	sor.u32 $0x6300, s11;
	[tilespmem:s11+$0xAA80] =	vst.add.f32.msk $0xffff, v3  }
0x1de: {  	[tilespmem:s3+$0x0] =	vst.add.f32.msk $0xffff, v4  }
0x1df: {  	v3 =	vld [tilespmem:s11+$0xDB80];
	_ =	sdelay $0x1  }
0x1e0: {  	[tilespmem:s11+$0x7B00] =	vst.add.f32.msk $0xffff, v4  }
0x1e1: {  	[tilespmem:s11+$0x9300] =	vst.add.f32.msk $0xffff, v4  }
0x1e2: {  	s9 =	sor.u32 $0x6380, s11;
	[tilespmem:s11+$0xAB00] =	vst.add.f32.msk $0xffff, v4  }
0x1e3: {  	[tilespmem:s9+$0x0] =	vst.add.f32.msk $0xffff, v3  }
0x1e4: {  	[tilespmem:s11+$0x7B80] =	vst.add.f32.msk $0xffff, v3  }
0x1e5: {  	v63 =	vld [tilespmem:s11+$0xDC00]  }
0x1e6: {  	[tilespmem:s11+$0x9380] =	vst.add.f32.msk $0xffff, v3  }
0x1e7: {  	[tilespmem:s11+$0xAB80] =	vst.add.f32.msk $0xffff, v3  }
0x1e8: {  	v3 =	vld [tilespmem:s11+$0xDC80]  }
0x1e9: {  	v5 =	vld [tilespmem:s11+$0xDD00]  }
0x1ea: {  	[tilespmem:s11+$0x6400] =	vst.add.f32.msk $0xffff, v63  }
0x1eb: {  	[tilespmem:s11+$0x7C00] =	vst.add.f32.msk $0xffff, v63  }
0x1ec: {  	[tilespmem:s11+$0x9400] =	vst.add.f32.msk $0xffff, v63  }
0x1ed: {  	[tilespmem:s11+$0xAC00] =	vst.add.f32.msk $0xffff, v63  }
0x1ee: {  	[tilespmem:s11+$0x6480] =	vst.add.f32.msk $0xffff, v3  }
0x1ef: {  	[tilespmem:s11+$0x7C80] =	vst.add.f32.msk $0xffff, v3  }
0x1f0: {  	[tilespmem:s11+$0x9480] =	vst.add.f32.msk $0xffff, v3  }
0x1f1: {  	[tilespmem:s11+$0xAC80] =	vst.add.f32.msk $0xffff, v3  }
0x1f2: {  	[tilespmem:s11+$0x6500] =	vst.add.f32.msk $0xffff, v5  }
0x1f3: {  	[tilespmem:s11+$0x7D00] =	vst.add.f32.msk $0xffff, v5  }
0x1f4: {  	s10 =	sor.u32 s26, s10;
	[tilespmem:s11+$0x9500] =	vst.add.f32.msk $0xffff, v5  }
0x1f5: {  	s0 =	sor.u32 $0x380, s10;
	[tilespmem:s11+$0xAD00] =	vst.add.f32.msk $0xffff, v5  }
0x1f6: {  	v3 =	vld [tilespmem:s0+$0xDA00];
	_ =	sdelay $0x1  }
0x1f7: {  	[tilespmem:s21+$0x6200] =	vst.add.f32.msk $0xffff, v2  }
0x1f8: {  	[tilespmem:s21+$0x7A00] =	vst.add.f32.msk $0xffff, v2  }
0x1f9: {  	[tilespmem:s21+$0x9200] =	vst.add.f32.msk $0xffff, v2  }
0x1fa: {  	[tilespmem:s0+$0xAA00] =	vst.add.f32.msk $0xffff, v3  }
0x1fb: {  	[tilespmem:s0+$0x6200] =	vst.add.f32.msk $0xffff, v3  }
0x1fc: {  	s21 =	sadd.s32 s4, s23;
	s3 =	sadd.s32 s18, s22;
	[tilespmem:s0+$0x7A00] =	vst.add.f32.msk $0xffff, v3  }
0x1fd: {  	s24 =	sadd.s32 s19, s22;
	s31 =	sadd.s32 $0x1, s31;
	s3 =	smul.u32 $0x300, s3;
	[tilespmem:s0+$0x9200] =	vst.add.f32.msk $0xffff, v3  }
0x1fe: {  	[hbm4b:s21+s6] =	stream.linear.scatter [tilespmem:s14], [sflag:$0x4], $0x1800, $0x38;
	[tilespmem:$0xF200] =	vst v63  }
0x1ff: {  	p0 =	sne.s32 s31, $0x4;
	s23 =	sadd.s32 s4, s3;
	s0 =	smul.u32 $0x300, s24  }
0x200: {  	[hbm4b:s23+s6] =	stream.linear.scatter [tilespmem:s28], [sflag:$0x4], $0x1800, $0x38;
	[tilespmem:$0xF200] =	vst v63  }
.Ltmp3:
0x201: {  	s26 =	sadd.s32 s20, s22;
	(pc) =	sbr.rel @p0 .LBB2_2-.Ltmp3, $4  }
0x202: {  	s3 =	smul.u32 $0x300, s26;
	s0 =	sadd.s32 s4, s0  }
0x203: {  	[hbm4b:s0+s6] =	stream.linear.scatter [tilespmem:s2], [sflag:$0x4], $0x1800, $0x38;
	[tilespmem:$0xF200] =	vst v63  }
0x204: {  	s30 =	sadd.s32 s4, s3  }
0x205: {  	[hbm4b:s30+s6] =	stream.linear.scatter [tilespmem:s8], [sflag:$0x4], $0x1800, $0x38;
	[tilespmem:$0xF200] =	vst v63  }
0x206: {  	_ =	swait.ge [sflag:s29], $0x1800  }
0x207: {  	[sflag:s29] =	ssyncset.done $0x0  }
0x208: {  	[sflag:s29] =	ssyncadd.s32 $0xFFFFE800  }
0x209: {  	_ =	swait.ge [sflag:s29], $0x1800  }
0x20a: {  	[sflag:s29] =	ssyncset.done $0x0  }
0x20b: {  	[sflag:s29] =	ssyncadd.s32 $0xFFFFE800  }
0x20c: {  	_ =	swait.ge [sflag:s29], $0x1800  }
0x20d: {  	[sflag:s29] =	ssyncset.done $0x0  }
0x20e: {  	[sflag:s29] =	ssyncadd.s32 $0xFFFFE800  }
0x20f: {  	_ =	swait.ge [sflag:s29], $0x1800  }
0x210: {  	[sflag:s29] =	ssyncset.done $0x0  }
0x211: {  	s3 =	simm.s32 $0x4;
	[sflag:s29] =	ssyncadd.s32 $0xFFFFE800  }
0x212: {  	_ =	swait.ge [sflag:s3], $0x1800  }
0x213: {  	[sflag:s3] =	ssyncset.done $0x0  }
0x214: {  	[sflag:s3] =	ssyncadd.s32 $0xFFFFE800  }
0x215: {  	_ =	swait.ge [sflag:s3], $0x1800  }
0x216: {  	[sflag:s3] =	ssyncset.done $0x0  }
0x217: {  	[sflag:s3] =	ssyncadd.s32 $0xFFFFE800  }
0x218: {  	_ =	swait.ge [sflag:s3], $0x1800  }
0x219: {  	[sflag:s3] =	ssyncset.done $0x0  }
0x21a: {  	[sflag:s3] =	ssyncadd.s32 $0xFFFFE800  }
0x21b: {  	_ =	swait.ge [sflag:s3], $0x1800  }
0x21c: {  	s9 =	rddreg [dreg:$0xc]  }
0x21d: {  	s0 =	rddreg [dreg:$0xb];
	s9 =	sadd.s32 $0x1, s9  }
0x21e: {  	p0 =	sne.s32 s9, s0  }
.Ltmp4:
0x21f: {  	_ = 	snop;
	(pc) =	sbr.rel @p0 .LBB2_1-.Ltmp4, $3  }
0x220: {  	_ =	sdelay $0x1  }
0x221: {  	[sflag:s3] =	ssyncset.done $0x0  }
0x222: {  	[sflag:s3] =	ssyncadd.s32 $0xFFFFE800  }
0x223: {  	_ =	sfence.sel $0x180000  }
0x224: {  	[bflag:$0x0] =	sbarrier.arrive $0xFFFF  }
0x225: {  	_ =	strace $0x90000047  }
0x226: {  	s0 =	stileid.u32;
	[bflag:$0x2] =	sbarrier.arrive $0xFFFF  }
0x227: {  	p0 =	sne.s32 s0, $0x0;
	s0 =	rddreg [dreg:$0x4]  }
0x228: {  	s0 =	sadd.s32 @!p0 $0x100000, s0  }
0x229: {  	[sflag:s0] =	ssyncadd.tile.s32 @!p0 $0x1;
	_ =	shalt  }
.Lfunc_end2:
_tile_overlayer_lowered:
.L_overlay_start_2:
0x22a: {  	(tag) =	ssettag $0x2  }
0x22b: {  	s0 =	rddreg [dreg:$0x0];
	s2 =	stileid.u32  }
0x22c: {  	s1 =	rddreg [dreg:$0x1];
	p0 =	sne.s32 s2, $0x0  }
0x22d: {  	s3 =	rddreg [dreg:$0x2];
	[bflag:$0x3] =	sbarrier.arrive $0xFFFF;
	s2 =	simm.s32 @!p0 $0x1C05  }
0x22e: {  	[timem:s3], [sflag:s2] =	dma.local @!p0 [hbm:s0], s1  }
0x22f: {  	s0 =	simm.s32 @!p0 $0x5  }
0x230: {  	_ =	swait.ge @!p0 [sflag:s0], s1  }
0x231: {  	s1 =	ssub.s32 @!p0 $0x0, s1;
	[sflag:s0] =	ssyncset.done @!p0 $0x0  }
0x232: {  	[sflag:s0] =	ssyncadd.s32 @!p0 s1  }
0x233: {  	[bflag:$0x3] =	sbarrier.arrive $0xFFFF  }
0x234: {  	_ =	shalt  }

</sc_bundles>
